<compile_context>
chip_gen: v7x
topology: tpu7x:2x2x1
jax: 0.10.2.dev20260603
libtpu: 0.0.44.dev20260713+nightly
codegen_flags: <defaults>
</compile_context>

<pallas_src>
import jax
import jax.numpy as jnp
from jax import lax
from jax.experimental import pallas as pl
from jax.experimental.pallas import tpu as pltpu
from jax.experimental.pallas import tpu_sc as plsc

N = 10000
E = 320000
D = 128

NC = 2
NS = 16
NW = NC * NS
EPW = E // NW
CHUNK = 40
NCHUNK = EPW // CHUNK
N_PAD = 10240
ROWS_PER_TILE = N_PAD // NS
NB = 4


def _sc_body(node_hbm, edge_hbm, src_hbm, dst_hbm, zeros_hbm, out_hbm,
             idx_src_v, idx_dst_v, node_rows_v, edge_rows_v, acc_spmem,
             sem_load, sem_gath, sem_scat):
    c = lax.axis_index("c")
    s = lax.axis_index("s")
    wid = s * NC + c
    base_w = wid * EPW

    row0 = s * ROWS_PER_TILE
    pltpu.sync_copy(zeros_hbm.at[pl.ds(0, ROWS_PER_TILE)],
                    acc_spmem.at[pl.ds(row0, ROWS_PER_TILE)])
    plsc.subcore_barrier()

    def loads(g):
        b = g % NB
        off = base_w + g * CHUNK
        pltpu.async_copy(src_hbm.at[pl.ds(off, CHUNK)], idx_src_v.at[b],
                         sem_load.at[b])
        pltpu.async_copy(dst_hbm.at[pl.ds(off, CHUNK)], idx_dst_v.at[b],
                         sem_load.at[b])
        pltpu.async_copy(edge_hbm.at[pl.ds(off, CHUNK)], edge_rows_v.at[b],
                         sem_load.at[b])

    def drain_scat(b):
        pltpu.make_async_copy(node_rows_v.at[b], acc_spmem.at[idx_dst_v.at[b]],
                              sem_scat.at[b]).wait()
        pltpu.make_async_copy(edge_rows_v.at[b], acc_spmem.at[idx_dst_v.at[b]],
                              sem_scat.at[b]).wait()

    def step(g, carry):
        @pl.when(g + 1 < NCHUNK)
        def _():
            @pl.when(g >= 3)
            def _():
                drain_scat((g + 1) % NB)
            loads(g + 1)

        b = g % NB
        off = base_w + g * CHUNK
        pltpu.make_async_copy(src_hbm.at[pl.ds(off, CHUNK)],
                              idx_src_v.at[b], sem_load.at[b]).wait()
        pltpu.make_async_copy(dst_hbm.at[pl.ds(off, CHUNK)],
                              idx_dst_v.at[b], sem_load.at[b]).wait()
        pltpu.make_async_copy(edge_hbm.at[pl.ds(off, CHUNK)],
                              edge_rows_v.at[b], sem_load.at[b]).wait()
        pltpu.async_copy(edge_rows_v.at[b], acc_spmem.at[idx_dst_v.at[b]],
                         sem_scat.at[b], add=True)
        pltpu.async_copy(node_hbm.at[idx_src_v.at[b]], node_rows_v.at[b],
                         sem_gath.at[b])

        @pl.when(g >= 1)
        def _():
            b1 = (g - 1) % NB
            pltpu.make_async_copy(node_hbm.at[idx_src_v.at[b1]],
                                  node_rows_v.at[b1], sem_gath.at[b1]).wait()
            pltpu.async_copy(node_rows_v.at[b1],
                             acc_spmem.at[idx_dst_v.at[b1]],
                             sem_scat.at[b1], add=True)
        return carry

    loads(0)
    lax.fori_loop(0, NCHUNK, step, 0)
    bl = (NCHUNK - 1) % NB
    pltpu.make_async_copy(node_hbm.at[idx_src_v.at[bl]],
                          node_rows_v.at[bl], sem_gath.at[bl]).wait()
    pltpu.async_copy(node_rows_v.at[bl], acc_spmem.at[idx_dst_v.at[bl]],
                     sem_scat.at[bl], add=True)
    for k in range(NB, 0, -1):
        drain_scat((NCHUNK - k) % NB)
    plsc.subcore_barrier()

    pltpu.sync_copy(acc_spmem.at[pl.ds(row0, ROWS_PER_TILE)],
                    out_hbm.at[c, pl.ds(row0, ROWS_PER_TILE)])


@jax.jit
def _sc_segment_sum(node_feat, edge_feat, src, dst):
    zeros = jnp.zeros((ROWS_PER_TILE, D), dtype=jnp.float32)
    mesh = plsc.VectorSubcoreMesh(core_axis_name="c", subcore_axis_name="s",
                                  num_cores=NC, num_subcores=NS)
    f = pl.kernel(
        _sc_body,
        out_type=jax.ShapeDtypeStruct((NC, N_PAD, D), jnp.float32),
        mesh=mesh,
        scratch_types=[
            pltpu.VMEM((NB, CHUNK), jnp.int32),
            pltpu.VMEM((NB, CHUNK), jnp.int32),
            pltpu.VMEM((NB, CHUNK, D), jnp.float32),
            pltpu.VMEM((NB, CHUNK, D), jnp.float32),
            pltpu.VMEM_SHARED((N_PAD, D), jnp.float32),
            pltpu.SemaphoreType.DMA((NB,)),
            pltpu.SemaphoreType.DMA((NB,)),
            pltpu.SemaphoreType.DMA((NB,)),
        ],
    )
    return f(node_feat, edge_feat, src, dst, zeros)


def _mlp_body(x_ref, p_ref, W1_ref, b1_ref, gamma_ref, beta_ref, W2_ref,
              b2_ref, eps_ref, o_ref):
    neigh = p_ref[0, :N] + p_ref[1, :N]
    rst = (1.0 + eps_ref[0]) * x_ref[...] + neigh
    h = jnp.dot(rst, W1_ref[...], preferred_element_type=jnp.float32,
                precision=lax.Precision.HIGHEST) + b1_ref[...]
    mean = jnp.mean(h, axis=0)
    var = jnp.mean((h - mean) ** 2, axis=0)
    h = (h - mean) * (gamma_ref[...] * lax.rsqrt(var + 1e-5)) + beta_ref[...]
    h = jnp.maximum(h, 0.0)
    o_ref[...] = jnp.dot(h, W2_ref[...], preferred_element_type=jnp.float32,
                         precision=lax.Precision.HIGHEST) + b2_ref[...]


@jax.jit
def _tc_mlp(node_feat, partials, W1, b1, gamma, beta, W2, b2, eps):
    return pl.pallas_call(
        _mlp_body,
        out_shape=jax.ShapeDtypeStruct((N, D), jnp.float32),
        in_specs=[
            pl.BlockSpec(memory_space=pltpu.VMEM),
            pl.BlockSpec(memory_space=pltpu.VMEM),
            pl.BlockSpec(memory_space=pltpu.VMEM),
            pl.BlockSpec(memory_space=pltpu.VMEM),
            pl.BlockSpec(memory_space=pltpu.VMEM),
            pl.BlockSpec(memory_space=pltpu.VMEM),
            pl.BlockSpec(memory_space=pltpu.VMEM),
            pl.BlockSpec(memory_space=pltpu.VMEM),
            pl.BlockSpec(memory_space=pltpu.SMEM),
        ],
        out_specs=pl.BlockSpec(memory_space=pltpu.VMEM),
    )(node_feat, partials, W1, b1, gamma, beta, W2, b2, eps)


def kernel(node_feat, edge_feat, edge_index, W1, b1, gamma, beta, W2, b2, eps):
    src = edge_index[0]
    dst = edge_index[1]
    partials = _sc_segment_sum(node_feat, edge_feat, src, dst)
    return _tc_mlp(node_feat, partials, W1, b1, gamma, beta, W2, b2, eps)

# --- scband reference (transcript-rebuilt; emitter-appended) ---
"""Pipeline reference for scband-ginconv-40475771797956 (READ-ONLY COPY).

The authoritative reference and input builder live on the scoring server;
editing this copy changes nothing except your own understanding.
"""

import jax, jax.numpy as jnp
import numpy as np

N = 10000
E = 320000
D = 128

def setup_inputs(seed: int = 0) -> dict:
    key = jax.random.key(seed)
    ks = jax.random.split(key, 12)
    node_feat = jax.random.normal(ks[0], (N, D), dtype=jnp.float32)
    edge_feat = jax.random.normal(ks[1], (E, D), dtype=jnp.float32)
    edge_index = jax.random.randint(ks[2], (2, E), 0, N, dtype=jnp.int32)
    # MLP params: Linear(D, 2D) -> BatchNorm1d(2D) -> ReLU -> Linear(2D, D)
    W1 = jax.random.normal(ks[3], (D, 2 * D), dtype=jnp.float32) / np.sqrt(D)
    b1 = jnp.zeros((2 * D,), dtype=jnp.float32)
    gamma = jnp.ones((2 * D,), dtype=jnp.float32)
    beta = jnp.zeros((2 * D,), dtype=jnp.float32)
    W2 = jax.random.normal(ks[4], (2 * D, D), dtype=jnp.float32) / np.sqrt(2 * D)
    b2 = jnp.zeros((D,), dtype=jnp.float32)
    eps = jnp.zeros((1,), dtype=jnp.float32)  # GIN epsilon, init 0
    return {"node_feat": node_feat, "edge_feat": edge_feat, "edge_index": edge_index,
            "W1": W1, "b1": b1, "gamma": gamma, "beta": beta, "W2": W2, "b2": b2, "eps": eps}

def reference(node_feat, edge_feat, edge_index, W1, b1, gamma, beta, W2, b2, eps):
    src = edge_index[0]
    dst = edge_index[1]
    # u_add_e: message on each edge = node_feat[src] + edge_feat
    m = jnp.take(node_feat, src, axis=0) + edge_feat
    # fn.sum: scatter-add messages into destination nodes
    neigh = jax.ops.segment_sum(m, dst, num_segments=node_feat.shape[0])
    rst = (1.0 + eps[0]) * node_feat + neigh
    # MLP: Linear -> BatchNorm1d (training-mode batch stats, eps=1e-5) -> ReLU -> Linear
    h = rst @ W1 + b1
    mean = jnp.mean(h, axis=0)
    var = jnp.var(h, axis=0)
    h = (h - mean) / jnp.sqrt(var + 1e-5) * gamma + beta
    h = jax.nn.relu(h)
    out = h @ W2 + b2
    return out

if __name__ == "__main__":
    import jax
    _d = setup_inputs()
    print(jax.jit(kernel)(*tuple(_d.values())))

</pallas_src>

<mosaic_0001>
#map = affine_map<(d0, d1) -> (0, 0)>
#map1 = affine_map<(d0, d1) -> (0)>
#map2 = affine_map<(d0, d1) -> (0, 0, 0)>
module attributes {stable_mosaic.version = 14 : i64} {
  func.func @_sc_body(%arg0: i32, %arg1: i32, %arg2: memref<10000x128xf32, #tpu.memory_space<hbm>>, %arg3: memref<320000x128xf32, #tpu.memory_space<hbm>>, %arg4: memref<320000xi32, #tpu.memory_space<hbm>>, %arg5: memref<320000xi32, #tpu.memory_space<hbm>>, %arg6: memref<640x128xf32, #tpu.memory_space<hbm>>, %arg7: memref<2x10240x128xf32, #tpu.memory_space<hbm>>, %arg8: memref<4x40xi32, #tpu.memory_space<vmem>>, %arg9: memref<4x40xi32, #tpu.memory_space<vmem>>, %arg10: memref<4x40x128xf32, #tpu.memory_space<vmem>>, %arg11: memref<4x40x128xf32, #tpu.memory_space<vmem>>, %arg12: memref<10240x128xf32, #tpu.memory_space<vmem_shared>>, %arg13: memref<4x!tpu.dma_semaphore, #tpu.memory_space<semaphore_mem>>, %arg14: memref<4x!tpu.dma_semaphore, #tpu.memory_space<semaphore_mem>>, %arg15: memref<4x!tpu.dma_semaphore, #tpu.memory_space<semaphore_mem>>) attributes {dimension_semantics = [#tpu.dimension_semantics<core_parallel>, #tpu.dimension_semantics<subcore_parallel>], iteration_bounds = array<i64: 2, 16>, scalar_prefetch = 0 : i64, scratch_operands = 8 : i64, tpu.core_type = #tpu.core_type<sc_vector_subcore>, window_params = [{transform_indices = #map}, {transform_indices = #map}, {transform_indices = #map1}, {transform_indices = #map1}, {transform_indices = #map}, {transform_indices = #map2}]} {
    %mul3A = arith.constant 2 : i32
    %mul3A_0 = arith.muli %arg1, %mul3A : i32
    %add3A = arith.addi %mul3A_0, %arg0 : i32
    %mul3A_1 = arith.constant 10000 : i32
    %mul3A_2 = arith.muli %add3A, %mul3A_1 : i32
    %mul3A_3 = arith.constant 640 : i32
    %mul3A_4 = arith.muli %arg1, %mul3A_3 : i32
    "tpu.region"() ({
      %run_scoped3A = tpu.sem_alloc : memref<!tpu.dma_semaphore, #tpu.memory_space<semaphore_mem>>
      %dma_start3A_201 = arith.constant 0 : i32
      %dma_start3A_202 = tpu.memref_slice %arg12[%mul3A_4, %dma_start3A_201] : memref<10240x128xf32, #tpu.memory_space<vmem_shared>> -> memref<640x128xf32, #tpu.memory_space<vmem_shared>>
      %dma_start3A_203 = arith.constant 0 : i32
      %dma_start3A_204 = arith.constant 0 : i32
      %dma_start3A_205 = tpu.memref_slice %arg6[%dma_start3A_203, %dma_start3A_204] : memref<640x128xf32, #tpu.memory_space<hbm>> -> memref<640x128xf32, #tpu.memory_space<hbm>>
      tpu.enqueue_dma source(%dma_start3A_205 : memref<640x128xf32, #tpu.memory_space<hbm>>) target(%dma_start3A_202 : memref<640x128xf32, #tpu.memory_space<vmem_shared>>) target_semaphore(%run_scoped3A : memref<!tpu.dma_semaphore, #tpu.memory_space<semaphore_mem>>)
      %dma_wait3A_206 = arith.constant 0 : i32
      %dma_wait3A_207 = tpu.memref_slice %arg12[%mul3A_4, %dma_wait3A_206] : memref<10240x128xf32, #tpu.memory_space<vmem_shared>> -> memref<640x128xf32, #tpu.memory_space<vmem_shared>>
      %dma_wait3A_208 = arith.constant 0 : i32
      %dma_wait3A_209 = arith.constant 0 : i32
      %dma_wait3A_210 = tpu.memref_slice %arg6[%dma_wait3A_208, %dma_wait3A_209] : memref<640x128xf32, #tpu.memory_space<hbm>> -> memref<640x128xf32, #tpu.memory_space<hbm>>
      tpu.wait_dma2 semaphore(%run_scoped3A : memref<!tpu.dma_semaphore, #tpu.memory_space<semaphore_mem>>) src(%dma_wait3A_210 : memref<640x128xf32, #tpu.memory_space<hbm>>) dst(%dma_wait3A_207 : memref<640x128xf32, #tpu.memory_space<vmem_shared>>)
      tpu.yield
    }) : () -> ()
    %barrier3A = arith.constant 0 : index
    tpu.barrier barrier_id(%barrier3A)
    %add3A_5 = arith.constant 0 : i32
    %add3A_6 = arith.addi %mul3A_2, %add3A_5 : i32
    %dma_start3A = arith.constant 0 : i32
    %dma_start3A_7 = arith.constant 0 : i32
    %dma_start3A_8 = arith.constant 0 : i32
    %dma_start3A_9 = tpu.memref_slice %arg8[%dma_start3A, %dma_start3A_8] : memref<4x40xi32, #tpu.memory_space<vmem>> -> memref<1x40xi32, #tpu.memory_space<vmem>>
    %dma_start3A_10 = tpu.memref_squeeze %dma_start3A_9 : memref<1x40xi32, #tpu.memory_space<vmem>> -> memref<40xi32, #tpu.memory_space<vmem>>
    %dma_start3A_11 = tpu.memref_slice %arg4[%add3A_6] : memref<320000xi32, #tpu.memory_space<hbm>> -> memref<40xi32, #tpu.memory_space<hbm>>
    %dma_start3A_12 = tpu.memref_slice %arg13[%dma_start3A_7] : memref<4x!tpu.dma_semaphore, #tpu.memory_space<semaphore_mem>> -> memref<1x!tpu.dma_semaphore, #tpu.memory_space<semaphore_mem>>
    %dma_start3A_13 = tpu.memref_squeeze %dma_start3A_12 : memref<1x!tpu.dma_semaphore, #tpu.memory_space<semaphore_mem>> -> memref<!tpu.dma_semaphore, #tpu.memory_space<semaphore_mem>>
    %dma_start3A_14 = arith.constant 0 : i32
    %dma_start3A_15 = tpu.memref_slice %arg8[%dma_start3A, %dma_start3A_14] : memref<4x40xi32, #tpu.memory_space<vmem>> -> memref<1x40xi32, #tpu.memory_space<vmem>>
    %dma_start3A_16 = tpu.memref_squeeze %dma_start3A_15 : memref<1x40xi32, #tpu.memory_space<vmem>> -> memref<40xi32, #tpu.memory_space<vmem>>
    %dma_start3A_17 = tpu.memref_slice %arg4[%add3A_6] : memref<320000xi32, #tpu.memory_space<hbm>> -> memref<40xi32, #tpu.memory_space<hbm>>
    tpu.enqueue_dma source(%dma_start3A_17 : memref<40xi32, #tpu.memory_space<hbm>>) target(%dma_start3A_16 : memref<40xi32, #tpu.memory_space<vmem>>) target_semaphore(%dma_start3A_13 : memref<!tpu.dma_semaphore, #tpu.memory_space<semaphore_mem>>)
    %dma_start3A_18 = arith.constant 0 : i32
    %dma_start3A_19 = arith.constant 0 : i32
    %dma_start3A_20 = arith.constant 0 : i32
    %dma_start3A_21 = tpu.memref_slice %arg9[%dma_start3A_18, %dma_start3A_20] : memref<4x40xi32, #tpu.memory_space<vmem>> -> memref<1x40xi32, #tpu.memory_space<vmem>>
    %dma_start3A_22 = tpu.memref_squeeze %dma_start3A_21 : memref<1x40xi32, #tpu.memory_space<vmem>> -> memref<40xi32, #tpu.memory_space<vmem>>
    %dma_start3A_23 = tpu.memref_slice %arg5[%add3A_6] : memref<320000xi32, #tpu.memory_space<hbm>> -> memref<40xi32, #tpu.memory_space<hbm>>
    %dma_start3A_24 = tpu.memref_slice %arg13[%dma_start3A_19] : memref<4x!tpu.dma_semaphore, #tpu.memory_space<semaphore_mem>> -> memref<1x!tpu.dma_semaphore, #tpu.memory_space<semaphore_mem>>
    %dma_start3A_25 = tpu.memref_squeeze %dma_start3A_24 : memref<1x!tpu.dma_semaphore, #tpu.memory_space<semaphore_mem>> -> memref<!tpu.dma_semaphore, #tpu.memory_space<semaphore_mem>>
    %dma_start3A_26 = arith.constant 0 : i32
    %dma_start3A_27 = tpu.memref_slice %arg9[%dma_start3A_18, %dma_start3A_26] : memref<4x40xi32, #tpu.memory_space<vmem>> -> memref<1x40xi32, #tpu.memory_space<vmem>>
    %dma_start3A_28 = tpu.memref_squeeze %dma_start3A_27 : memref<1x40xi32, #tpu.memory_space<vmem>> -> memref<40xi32, #tpu.memory_space<vmem>>
    %dma_start3A_29 = tpu.memref_slice %arg5[%add3A_6] : memref<320000xi32, #tpu.memory_space<hbm>> -> memref<40xi32, #tpu.memory_space<hbm>>
    tpu.enqueue_dma source(%dma_start3A_29 : memref<40xi32, #tpu.memory_space<hbm>>) target(%dma_start3A_28 : memref<40xi32, #tpu.memory_space<vmem>>) target_semaphore(%dma_start3A_25 : memref<!tpu.dma_semaphore, #tpu.memory_space<semaphore_mem>>)
    %dma_start3A_30 = arith.constant 0 : i32
    %dma_start3A_31 = arith.constant 0 : i32
    %dma_start3A_32 = arith.constant 0 : i32
    %dma_start3A_33 = arith.constant 0 : i32
    %dma_start3A_34 = tpu.memref_slice %arg11[%dma_start3A_30, %dma_start3A_32, %dma_start3A_33] : memref<4x40x128xf32, #tpu.memory_space<vmem>> -> memref<1x40x128xf32, #tpu.memory_space<vmem>>
    %dma_start3A_35 = tpu.memref_squeeze %dma_start3A_34 : memref<1x40x128xf32, #tpu.memory_space<vmem>> -> memref<40x128xf32, #tpu.memory_space<vmem>>
    %dma_start3A_36 = arith.constant 0 : i32
    %dma_start3A_37 = tpu.memref_slice %arg3[%add3A_6, %dma_start3A_36] : memref<320000x128xf32, #tpu.memory_space<hbm>> -> memref<40x128xf32, #tpu.memory_space<hbm>>
    %dma_start3A_38 = tpu.memref_slice %arg13[%dma_start3A_31] : memref<4x!tpu.dma_semaphore, #tpu.memory_space<semaphore_mem>> -> memref<1x!tpu.dma_semaphore, #tpu.memory_space<semaphore_mem>>
    %dma_start3A_39 = tpu.memref_squeeze %dma_start3A_38 : memref<1x!tpu.dma_semaphore, #tpu.memory_space<semaphore_mem>> -> memref<!tpu.dma_semaphore, #tpu.memory_space<semaphore_mem>>
    %dma_start3A_40 = arith.constant 0 : i32
    %dma_start3A_41 = arith.constant 0 : i32
    %dma_start3A_42 = tpu.memref_slice %arg11[%dma_start3A_30, %dma_start3A_40, %dma_start3A_41] : memref<4x40x128xf32, #tpu.memory_space<vmem>> -> memref<1x40x128xf32, #tpu.memory_space<vmem>>
    %dma_start3A_43 = tpu.memref_squeeze %dma_start3A_42 : memref<1x40x128xf32, #tpu.memory_space<vmem>> -> memref<40x128xf32, #tpu.memory_space<vmem>>
    %dma_start3A_44 = arith.constant 0 : i32
    %dma_start3A_45 = tpu.memref_slice %arg3[%add3A_6, %dma_start3A_44] : memref<320000x128xf32, #tpu.memory_space<hbm>> -> memref<40x128xf32, #tpu.memory_space<hbm>>
    tpu.enqueue_dma source(%dma_start3A_45 : memref<40x128xf32, #tpu.memory_space<hbm>>) target(%dma_start3A_43 : memref<40x128xf32, #tpu.memory_space<vmem>>) target_semaphore(%dma_start3A_39 : memref<!tpu.dma_semaphore, #tpu.memory_space<semaphore_mem>>)
    %scan3A = arith.constant 0 : i32
    %scan3A_46 = arith.constant 0 : i32
    %scan3A_47 = arith.constant 250 : i32
    %scan3A_48 = arith.addi %scan3A_46, %scan3A_47 : i32
    %scan3A_49 = arith.constant 1 : i32
    scf.for %scan3A_201 = %scan3A_46 to %scan3A_48 step %scan3A_49  : i32 {
      %add3A_202 = arith.constant 1 : i32
      %add3A_203 = arith.addi %scan3A_201, %add3A_202 : i32
      %lt3A = arith.constant 250 : i32
      %lt3A_204 = arith.cmpi slt, %add3A_203, %lt3A : i32
      %convert_element_type3A = arith.extui %lt3A_204 : i1 to i32
      %cond3A = arith.constant 0 : i32
      %cond3A_205 = arith.cmpi ne, %convert_element_type3A, %cond3A : i32
      scf.if %cond3A_205 {
        %ge3A_281 = arith.constant 3 : i32
        %ge3A_282 = arith.cmpi sge, %scan3A_201, %ge3A_281 : i32
        %convert_element_type3A_283 = arith.extui %ge3A_282 : i1 to i32
        %cond3A_284 = arith.constant 0 : i32
        %cond3A_285 = arith.cmpi ne, %convert_element_type3A_283, %cond3A_284 : i32
        scf.if %cond3A_285 {
          %add3A_341 = arith.constant 1 : i32
          %add3A_342 = arith.addi %scan3A_201, %add3A_341 : i32
          %jit3A_343 = arith.constant 4 : i32
          %eq3A_344 = arith.constant 0 : i32
          %eq3A_345 = arith.cmpi eq, %jit3A_343, %eq3A_344 : i32
          %jit3A_346 = arith.constant 1 : i32
          %select_n3A_347 = arith.select %eq3A_345, %jit3A_346, %jit3A_343 : i32
          %rem3A_348 = arith.remsi %add3A_342, %select_n3A_347 : i32
          %ne3A_349 = arith.constant 0 : i32
          %ne3A_350 = arith.cmpi ne, %rem3A_348, %ne3A_349 : i32
          %lt3A_351 = arith.constant 0 : i32
          %lt3A_352 = arith.cmpi slt, %rem3A_348, %lt3A_351 : i32
          %lt3A_353 = arith.constant 0 : i32
          %lt3A_354 = arith.cmpi slt, %select_n3A_347, %lt3A_353 : i32
          %ne3A_355 = arith.xori %lt3A_352, %lt3A_354 : i1
          %and3A_356 = arith.andi %ne3A_355, %ne3A_350 : i1
          %add3A_357 = arith.addi %rem3A_348, %select_n3A_347 : i32
          %select_n3A_358 = arith.select %and3A_356, %add3A_357, %rem3A_348 : i32
          %dma_wait3A_359 = arith.constant 0 : i32
          %dma_wait3A_360 = arith.constant 0 : i32
          %dma_wait3A_361 = tpu.memref_slice %arg10[%select_n3A_358, %dma_wait3A_359, %dma_wait3A_360] : memref<4x40x128xf32, #tpu.memory_space<vmem>> -> memref<1x40x128xf32, #tpu.memory_space<vmem>>
          %dma_wait3A_362 = tpu.memref_squeeze %dma_wait3A_361 : memref<1x40x128xf32, #tpu.memory_space<vmem>> -> memref<40x128xf32, #tpu.memory_space<vmem>>
          %dma_wait3A_363 = arith.constant 0 : i32
          %dma_wait3A_364 = tpu.memref_slice %arg9[%select_n3A_358, %dma_wait3A_363] : memref<4x40xi32, #tpu.memory_space<vmem>> -> memref<1x40xi32, #tpu.memory_space<vmem>>
          %dma_wait3A_365 = tpu.memref_squeeze %dma_wait3A_364 : memref<1x40xi32, #tpu.memory_space<vmem>> -> memref<40xi32, #tpu.memory_space<vmem>>
          %dma_wait3A_366 = arith.constant 0 : i32
          %dma_wait3A_367 = arith.constant 0 : i32
          %dma_wait3A_368 = tpu.memref_slice %arg12[%dma_wait3A_366, %dma_wait3A_367] : memref<10240x128xf32, #tpu.memory_space<vmem_shared>> -> memref<10240x128xf32, #tpu.memory_space<vmem_shared>>
          %dma_wait3A_369 = tpu.memref_slice %arg15[%select_n3A_358] : memref<4x!tpu.dma_semaphore, #tpu.memory_space<semaphore_mem>> -> memref<1x!tpu.dma_semaphore, #tpu.memory_space<semaphore_mem>>
          %dma_wait3A_370 = tpu.memref_squeeze %dma_wait3A_369 : memref<1x!tpu.dma_semaphore, #tpu.memory_space<semaphore_mem>> -> memref<!tpu.dma_semaphore, #tpu.memory_space<semaphore_mem>>
          tpu.wait_indirect_dma semaphore(%dma_wait3A_370 : memref<!tpu.dma_semaphore, #tpu.memory_space<semaphore_mem>>) src(%dma_wait3A_362 : memref<40x128xf32, #tpu.memory_space<vmem>>) dst(%dma_wait3A_368 : memref<10240x128xf32, #tpu.memory_space<vmem_shared>>)
          %dma_wait3A_371 = arith.constant 0 : i32
          %dma_wait3A_372 = arith.constant 0 : i32
          %dma_wait3A_373 = tpu.memref_slice %arg11[%select_n3A_358, %dma_wait3A_371, %dma_wait3A_372] : memref<4x40x128xf32, #tpu.memory_space<vmem>> -> memref<1x40x128xf32, #tpu.memory_space<vmem>>
          %dma_wait3A_374 = tpu.memref_squeeze %dma_wait3A_373 : memref<1x40x128xf32, #tpu.memory_space<vmem>> -> memref<40x128xf32, #tpu.memory_space<vmem>>
          %dma_wait3A_375 = arith.constant 0 : i32
          %dma_wait3A_376 = tpu.memref_slice %arg9[%select_n3A_358, %dma_wait3A_375] : memref<4x40xi32, #tpu.memory_space<vmem>> -> memref<1x40xi32, #tpu.memory_space<vmem>>
          %dma_wait3A_377 = tpu.memref_squeeze %dma_wait3A_376 : memref<1x40xi32, #tpu.memory_space<vmem>> -> memref<40xi32, #tpu.memory_space<vmem>>
          %dma_wait3A_378 = arith.constant 0 : i32
          %dma_wait3A_379 = arith.constant 0 : i32
          %dma_wait3A_380 = tpu.memref_slice %arg12[%dma_wait3A_378, %dma_wait3A_379] : memref<10240x128xf32, #tpu.memory_space<vmem_shared>> -> memref<10240x128xf32, #tpu.memory_space<vmem_shared>>
          %dma_wait3A_381 = tpu.memref_slice %arg15[%select_n3A_358] : memref<4x!tpu.dma_semaphore, #tpu.memory_space<semaphore_mem>> -> memref<1x!tpu.dma_semaphore, #tpu.memory_space<semaphore_mem>>
          %dma_wait3A_382 = tpu.memref_squeeze %dma_wait3A_381 : memref<1x!tpu.dma_semaphore, #tpu.memory_space<semaphore_mem>> -> memref<!tpu.dma_semaphore, #tpu.memory_space<semaphore_mem>>
          tpu.wait_indirect_dma semaphore(%dma_wait3A_382 : memref<!tpu.dma_semaphore, #tpu.memory_space<semaphore_mem>>) src(%dma_wait3A_374 : memref<40x128xf32, #tpu.memory_space<vmem>>) dst(%dma_wait3A_380 : memref<10240x128xf32, #tpu.memory_space<vmem_shared>>)
        } else {
        }
        %add3A_286 = arith.constant 1 : i32
        %add3A_287 = arith.addi %scan3A_201, %add3A_286 : i32
        %jit3A_288 = arith.constant 4 : i32
        %eq3A_289 = arith.constant 0 : i32
        %eq3A_290 = arith.cmpi eq, %jit3A_288, %eq3A_289 : i32
        %jit3A_291 = arith.constant 1 : i32
        %select_n3A_292 = arith.select %eq3A_290, %jit3A_291, %jit3A_288 : i32
        %rem3A_293 = arith.remsi %add3A_287, %select_n3A_292 : i32
        %ne3A_294 = arith.constant 0 : i32
        %ne3A_295 = arith.cmpi ne, %rem3A_293, %ne3A_294 : i32
        %lt3A_296 = arith.constant 0 : i32
        %lt3A_297 = arith.cmpi slt, %rem3A_293, %lt3A_296 : i32
        %lt3A_298 = arith.constant 0 : i32
        %lt3A_299 = arith.cmpi slt, %select_n3A_292, %lt3A_298 : i32
        %ne3A_300 = arith.xori %lt3A_297, %lt3A_299 : i1
        %and3A_301 = arith.andi %ne3A_300, %ne3A_295 : i1
        %add3A_302 = arith.addi %rem3A_293, %select_n3A_292 : i32
        %select_n3A_303 = arith.select %and3A_301, %add3A_302, %rem3A_293 : i32
        %mul3A_304 = arith.constant 40 : i32
        %mul3A_305 = arith.muli %add3A_287, %mul3A_304 : i32
        %add3A_306 = arith.addi %mul3A_2, %mul3A_305 : i32
        %dma_start3A_307 = arith.constant 0 : i32
        %dma_start3A_308 = tpu.memref_slice %arg8[%select_n3A_303, %dma_start3A_307] : memref<4x40xi32, #tpu.memory_space<vmem>> -> memref<1x40xi32, #tpu.memory_space<vmem>>
        %dma_start3A_309 = tpu.memref_squeeze %dma_start3A_308 : memref<1x40xi32, #tpu.memory_space<vmem>> -> memref<40xi32, #tpu.memory_space<vmem>>
        %dma_start3A_310 = tpu.memref_slice %arg4[%add3A_306] : memref<320000xi32, #tpu.memory_space<hbm>> -> memref<40xi32, #tpu.memory_space<hbm>>
        %dma_start3A_311 = tpu.memref_slice %arg13[%select_n3A_303] : memref<4x!tpu.dma_semaphore, #tpu.memory_space<semaphore_mem>> -> memref<1x!tpu.dma_semaphore, #tpu.memory_space<semaphore_mem>>
        %dma_start3A_312 = tpu.memref_squeeze %dma_start3A_311 : memref<1x!tpu.dma_semaphore, #tpu.memory_space<semaphore_mem>> -> memref<!tpu.dma_semaphore, #tpu.memory_space<semaphore_mem>>
        %dma_start3A_313 = arith.constant 0 : i32
        %dma_start3A_314 = tpu.memref_slice %arg8[%select_n3A_303, %dma_start3A_313] : memref<4x40xi32, #tpu.memory_space<vmem>> -> memref<1x40xi32, #tpu.memory_space<vmem>>
        %dma_start3A_315 = tpu.memref_squeeze %dma_start3A_314 : memref<1x40xi32, #tpu.memory_space<vmem>> -> memref<40xi32, #tpu.memory_space<vmem>>
        %dma_start3A_316 = tpu.memref_slice %arg4[%add3A_306] : memref<320000xi32, #tpu.memory_space<hbm>> -> memref<40xi32, #tpu.memory_space<hbm>>
        tpu.enqueue_dma source(%dma_start3A_316 : memref<40xi32, #tpu.memory_space<hbm>>) target(%dma_start3A_315 : memref<40xi32, #tpu.memory_space<vmem>>) target_semaphore(%dma_start3A_312 : memref<!tpu.dma_semaphore, #tpu.memory_space<semaphore_mem>>)
        %dma_start3A_317 = arith.constant 0 : i32
        %dma_start3A_318 = tpu.memref_slice %arg9[%select_n3A_303, %dma_start3A_317] : memref<4x40xi32, #tpu.memory_space<vmem>> -> memref<1x40xi32, #tpu.memory_space<vmem>>
        %dma_start3A_319 = tpu.memref_squeeze %dma_start3A_318 : memref<1x40xi32, #tpu.memory_space<vmem>> -> memref<40xi32, #tpu.memory_space<vmem>>
        %dma_start3A_320 = tpu.memref_slice %arg5[%add3A_306] : memref<320000xi32, #tpu.memory_space<hbm>> -> memref<40xi32, #tpu.memory_space<hbm>>
        %dma_start3A_321 = tpu.memref_slice %arg13[%select_n3A_303] : memref<4x!tpu.dma_semaphore, #tpu.memory_space<semaphore_mem>> -> memref<1x!tpu.dma_semaphore, #tpu.memory_space<semaphore_mem>>
        %dma_start3A_322 = tpu.memref_squeeze %dma_start3A_321 : memref<1x!tpu.dma_semaphore, #tpu.memory_space<semaphore_mem>> -> memref<!tpu.dma_semaphore, #tpu.memory_space<semaphore_mem>>
        %dma_start3A_323 = arith.constant 0 : i32
        %dma_start3A_324 = tpu.memref_slice %arg9[%select_n3A_303, %dma_start3A_323] : memref<4x40xi32, #tpu.memory_space<vmem>> -> memref<1x40xi32, #tpu.memory_space<vmem>>
        %dma_start3A_325 = tpu.memref_squeeze %dma_start3A_324 : memref<1x40xi32, #tpu.memory_space<vmem>> -> memref<40xi32, #tpu.memory_space<vmem>>
        %dma_start3A_326 = tpu.memref_slice %arg5[%add3A_306] : memref<320000xi32, #tpu.memory_space<hbm>> -> memref<40xi32, #tpu.memory_space<hbm>>
        tpu.enqueue_dma source(%dma_start3A_326 : memref<40xi32, #tpu.memory_space<hbm>>) target(%dma_start3A_325 : memref<40xi32, #tpu.memory_space<vmem>>) target_semaphore(%dma_start3A_322 : memref<!tpu.dma_semaphore, #tpu.memory_space<semaphore_mem>>)
        %dma_start3A_327 = arith.constant 0 : i32
        %dma_start3A_328 = arith.constant 0 : i32
        %dma_start3A_329 = tpu.memref_slice %arg11[%select_n3A_303, %dma_start3A_327, %dma_start3A_328] : memref<4x40x128xf32, #tpu.memory_space<vmem>> -> memref<1x40x128xf32, #tpu.memory_space<vmem>>
        %dma_start3A_330 = tpu.memref_squeeze %dma_start3A_329 : memref<1x40x128xf32, #tpu.memory_space<vmem>> -> memref<40x128xf32, #tpu.memory_space<vmem>>
        %dma_start3A_331 = arith.constant 0 : i32
        %dma_start3A_332 = tpu.memref_slice %arg3[%add3A_306, %dma_start3A_331] : memref<320000x128xf32, #tpu.memory_space<hbm>> -> memref<40x128xf32, #tpu.memory_space<hbm>>
        %dma_start3A_333 = tpu.memref_slice %arg13[%select_n3A_303] : memref<4x!tpu.dma_semaphore, #tpu.memory_space<semaphore_mem>> -> memref<1x!tpu.dma_semaphore, #tpu.memory_space<semaphore_mem>>
        %dma_start3A_334 = tpu.memref_squeeze %dma_start3A_333 : memref<1x!tpu.dma_semaphore, #tpu.memory_space<semaphore_mem>> -> memref<!tpu.dma_semaphore, #tpu.memory_space<semaphore_mem>>
        %dma_start3A_335 = arith.constant 0 : i32
        %dma_start3A_336 = arith.constant 0 : i32
        %dma_start3A_337 = tpu.memref_slice %arg11[%select_n3A_303, %dma_start3A_335, %dma_start3A_336] : memref<4x40x128xf32, #tpu.memory_space<vmem>> -> memref<1x40x128xf32, #tpu.memory_space<vmem>>
        %dma_start3A_338 = tpu.memref_squeeze %dma_start3A_337 : memref<1x40x128xf32, #tpu.memory_space<vmem>> -> memref<40x128xf32, #tpu.memory_space<vmem>>
        %dma_start3A_339 = arith.constant 0 : i32
        %dma_start3A_340 = tpu.memref_slice %arg3[%add3A_306, %dma_start3A_339] : memref<320000x128xf32, #tpu.memory_space<hbm>> -> memref<40x128xf32, #tpu.memory_space<hbm>>
        tpu.enqueue_dma source(%dma_start3A_340 : memref<40x128xf32, #tpu.memory_space<hbm>>) target(%dma_start3A_338 : memref<40x128xf32, #tpu.memory_space<vmem>>) target_semaphore(%dma_start3A_334 : memref<!tpu.dma_semaphore, #tpu.memory_space<semaphore_mem>>)
      } else {
      }
      %jit3A = arith.constant 4 : i32
      %eq3A = arith.constant 0 : i32
      %eq3A_206 = arith.cmpi eq, %jit3A, %eq3A : i32
      %jit3A_207 = arith.constant 1 : i32
      %select_n3A = arith.select %eq3A_206, %jit3A_207, %jit3A : i32
      %rem3A = arith.remsi %scan3A_201, %select_n3A : i32
      %ne3A = arith.constant 0 : i32
      %ne3A_208 = arith.cmpi ne, %rem3A, %ne3A : i32
      %lt3A_209 = arith.constant 0 : i32
      %lt3A_210 = arith.cmpi slt, %rem3A, %lt3A_209 : i32
      %lt3A_211 = arith.constant 0 : i32
      %lt3A_212 = arith.cmpi slt, %select_n3A, %lt3A_211 : i32
      %ne3A_213 = arith.xori %lt3A_210, %lt3A_212 : i1
      %and3A = arith.andi %ne3A_213, %ne3A_208 : i1
      %add3A_214 = arith.addi %rem3A, %select_n3A : i32
      %select_n3A_215 = arith.select %and3A, %add3A_214, %rem3A : i32
      %mul3A_216 = arith.constant 40 : i32
      %mul3A_217 = arith.muli %scan3A_201, %mul3A_216 : i32
      %add3A_218 = arith.addi %mul3A_2, %mul3A_217 : i32
      %dma_wait3A_219 = arith.constant 0 : i32
      %dma_wait3A_220 = tpu.memref_slice %arg8[%select_n3A_215, %dma_wait3A_219] : memref<4x40xi32, #tpu.memory_space<vmem>> -> memref<1x40xi32, #tpu.memory_space<vmem>>
      %dma_wait3A_221 = tpu.memref_squeeze %dma_wait3A_220 : memref<1x40xi32, #tpu.memory_space<vmem>> -> memref<40xi32, #tpu.memory_space<vmem>>
      %dma_wait3A_222 = tpu.memref_slice %arg4[%add3A_218] : memref<320000xi32, #tpu.memory_space<hbm>> -> memref<40xi32, #tpu.memory_space<hbm>>
      %dma_wait3A_223 = tpu.memref_slice %arg13[%select_n3A_215] : memref<4x!tpu.dma_semaphore, #tpu.memory_space<semaphore_mem>> -> memref<1x!tpu.dma_semaphore, #tpu.memory_space<semaphore_mem>>
      %dma_wait3A_224 = tpu.memref_squeeze %dma_wait3A_223 : memref<1x!tpu.dma_semaphore, #tpu.memory_space<semaphore_mem>> -> memref<!tpu.dma_semaphore, #tpu.memory_space<semaphore_mem>>
      %dma_wait3A_225 = arith.constant 0 : i32
      %dma_wait3A_226 = tpu.memref_slice %arg8[%select_n3A_215, %dma_wait3A_225] : memref<4x40xi32, #tpu.memory_space<vmem>> -> memref<1x40xi32, #tpu.memory_space<vmem>>
      %dma_wait3A_227 = tpu.memref_squeeze %dma_wait3A_226 : memref<1x40xi32, #tpu.memory_space<vmem>> -> memref<40xi32, #tpu.memory_space<vmem>>
      %dma_wait3A_228 = tpu.memref_slice %arg4[%add3A_218] : memref<320000xi32, #tpu.memory_space<hbm>> -> memref<40xi32, #tpu.memory_space<hbm>>
      tpu.wait_dma2 semaphore(%dma_wait3A_224 : memref<!tpu.dma_semaphore, #tpu.memory_space<semaphore_mem>>) src(%dma_wait3A_228 : memref<40xi32, #tpu.memory_space<hbm>>) dst(%dma_wait3A_227 : memref<40xi32, #tpu.memory_space<vmem>>)
      %dma_wait3A_229 = arith.constant 0 : i32
      %dma_wait3A_230 = tpu.memref_slice %arg9[%select_n3A_215, %dma_wait3A_229] : memref<4x40xi32, #tpu.memory_space<vmem>> -> memref<1x40xi32, #tpu.memory_space<vmem>>
      %dma_wait3A_231 = tpu.memref_squeeze %dma_wait3A_230 : memref<1x40xi32, #tpu.memory_space<vmem>> -> memref<40xi32, #tpu.memory_space<vmem>>
      %dma_wait3A_232 = tpu.memref_slice %arg5[%add3A_218] : memref<320000xi32, #tpu.memory_space<hbm>> -> memref<40xi32, #tpu.memory_space<hbm>>
      %dma_wait3A_233 = tpu.memref_slice %arg13[%select_n3A_215] : memref<4x!tpu.dma_semaphore, #tpu.memory_space<semaphore_mem>> -> memref<1x!tpu.dma_semaphore, #tpu.memory_space<semaphore_mem>>
      %dma_wait3A_234 = tpu.memref_squeeze %dma_wait3A_233 : memref<1x!tpu.dma_semaphore, #tpu.memory_space<semaphore_mem>> -> memref<!tpu.dma_semaphore, #tpu.memory_space<semaphore_mem>>
      %dma_wait3A_235 = arith.constant 0 : i32
      %dma_wait3A_236 = tpu.memref_slice %arg9[%select_n3A_215, %dma_wait3A_235] : memref<4x40xi32, #tpu.memory_space<vmem>> -> memref<1x40xi32, #tpu.memory_space<vmem>>
      %dma_wait3A_237 = tpu.memref_squeeze %dma_wait3A_236 : memref<1x40xi32, #tpu.memory_space<vmem>> -> memref<40xi32, #tpu.memory_space<vmem>>
      %dma_wait3A_238 = tpu.memref_slice %arg5[%add3A_218] : memref<320000xi32, #tpu.memory_space<hbm>> -> memref<40xi32, #tpu.memory_space<hbm>>
      tpu.wait_dma2 semaphore(%dma_wait3A_234 : memref<!tpu.dma_semaphore, #tpu.memory_space<semaphore_mem>>) src(%dma_wait3A_238 : memref<40xi32, #tpu.memory_space<hbm>>) dst(%dma_wait3A_237 : memref<40xi32, #tpu.memory_space<vmem>>)
      %dma_wait3A_239 = arith.constant 0 : i32
      %dma_wait3A_240 = arith.constant 0 : i32
      %dma_wait3A_241 = tpu.memref_slice %arg11[%select_n3A_215, %dma_wait3A_239, %dma_wait3A_240] : memref<4x40x128xf32, #tpu.memory_space<vmem>> -> memref<1x40x128xf32, #tpu.memory_space<vmem>>
      %dma_wait3A_242 = tpu.memref_squeeze %dma_wait3A_241 : memref<1x40x128xf32, #tpu.memory_space<vmem>> -> memref<40x128xf32, #tpu.memory_space<vmem>>
      %dma_wait3A_243 = arith.constant 0 : i32
      %dma_wait3A_244 = tpu.memref_slice %arg3[%add3A_218, %dma_wait3A_243] : memref<320000x128xf32, #tpu.memory_space<hbm>> -> memref<40x128xf32, #tpu.memory_space<hbm>>
      %dma_wait3A_245 = tpu.memref_slice %arg13[%select_n3A_215] : memref<4x!tpu.dma_semaphore, #tpu.memory_space<semaphore_mem>> -> memref<1x!tpu.dma_semaphore, #tpu.memory_space<semaphore_mem>>
      %dma_wait3A_246 = tpu.memref_squeeze %dma_wait3A_245 : memref<1x!tpu.dma_semaphore, #tpu.memory_space<semaphore_mem>> -> memref<!tpu.dma_semaphore, #tpu.memory_space<semaphore_mem>>
      %dma_wait3A_247 = arith.constant 0 : i32
      %dma_wait3A_248 = arith.constant 0 : i32
      %dma_wait3A_249 = tpu.memref_slice %arg11[%select_n3A_215, %dma_wait3A_247, %dma_wait3A_248] : memref<4x40x128xf32, #tpu.memory_space<vmem>> -> memref<1x40x128xf32, #tpu.memory_space<vmem>>
      %dma_wait3A_250 = tpu.memref_squeeze %dma_wait3A_249 : memref<1x40x128xf32, #tpu.memory_space<vmem>> -> memref<40x128xf32, #tpu.memory_space<vmem>>
      %dma_wait3A_251 = arith.constant 0 : i32
      %dma_wait3A_252 = tpu.memref_slice %arg3[%add3A_218, %dma_wait3A_251] : memref<320000x128xf32, #tpu.memory_space<hbm>> -> memref<40x128xf32, #tpu.memory_space<hbm>>
      tpu.wait_dma2 semaphore(%dma_wait3A_246 : memref<!tpu.dma_semaphore, #tpu.memory_space<semaphore_mem>>) src(%dma_wait3A_252 : memref<40x128xf32, #tpu.memory_space<hbm>>) dst(%dma_wait3A_250 : memref<40x128xf32, #tpu.memory_space<vmem>>)
      %dma_start3A_253 = arith.constant 0 : i32
      %dma_start3A_254 = arith.constant 0 : i32
      %dma_start3A_255 = tpu.memref_slice %arg11[%select_n3A_215, %dma_start3A_253, %dma_start3A_254] : memref<4x40x128xf32, #tpu.memory_space<vmem>> -> memref<1x40x128xf32, #tpu.memory_space<vmem>>
      %dma_start3A_256 = tpu.memref_squeeze %dma_start3A_255 : memref<1x40x128xf32, #tpu.memory_space<vmem>> -> memref<40x128xf32, #tpu.memory_space<vmem>>
      %dma_start3A_257 = arith.constant 0 : i32
      %dma_start3A_258 = tpu.memref_slice %arg9[%select_n3A_215, %dma_start3A_257] : memref<4x40xi32, #tpu.memory_space<vmem>> -> memref<1x40xi32, #tpu.memory_space<vmem>>
      %dma_start3A_259 = tpu.memref_squeeze %dma_start3A_258 : memref<1x40xi32, #tpu.memory_space<vmem>> -> memref<40xi32, #tpu.memory_space<vmem>>
      %dma_start3A_260 = arith.constant 0 : i32
      %dma_start3A_261 = arith.constant 0 : i32
      %dma_start3A_262 = tpu.memref_slice %arg12[%dma_start3A_260, %dma_start3A_261] : memref<10240x128xf32, #tpu.memory_space<vmem_shared>> -> memref<10240x128xf32, #tpu.memory_space<vmem_shared>>
      %dma_start3A_263 = tpu.memref_slice %arg15[%select_n3A_215] : memref<4x!tpu.dma_semaphore, #tpu.memory_space<semaphore_mem>> -> memref<1x!tpu.dma_semaphore, #tpu.memory_space<semaphore_mem>>
      %dma_start3A_264 = tpu.memref_squeeze %dma_start3A_263 : memref<1x!tpu.dma_semaphore, #tpu.memory_space<semaphore_mem>> -> memref<!tpu.dma_semaphore, #tpu.memory_space<semaphore_mem>>
      tpu.enqueue_indirect_dma source(%dma_start3A_256 : memref<40x128xf32, #tpu.memory_space<vmem>>) target(%dma_start3A_262 : memref<10240x128xf32, #tpu.memory_space<vmem_shared>>) offsets(%dma_start3A_259 : memref<40xi32, #tpu.memory_space<vmem>>) semaphore(%dma_start3A_264 : memref<!tpu.dma_semaphore, #tpu.memory_space<semaphore_mem>>) {add = true}
      %dma_start3A_265 = arith.constant 0 : i32
      %dma_start3A_266 = arith.constant 0 : i32
      %dma_start3A_267 = tpu.memref_slice %arg10[%select_n3A_215, %dma_start3A_265, %dma_start3A_266] : memref<4x40x128xf32, #tpu.memory_space<vmem>> -> memref<1x40x128xf32, #tpu.memory_space<vmem>>
      %dma_start3A_268 = tpu.memref_squeeze %dma_start3A_267 : memref<1x40x128xf32, #tpu.memory_space<vmem>> -> memref<40x128xf32, #tpu.memory_space<vmem>>
      %dma_start3A_269 = arith.constant 0 : i32
      %dma_start3A_270 = tpu.memref_slice %arg8[%select_n3A_215, %dma_start3A_269] : memref<4x40xi32, #tpu.memory_space<vmem>> -> memref<1x40xi32, #tpu.memory_space<vmem>>
      %dma_start3A_271 = tpu.memref_squeeze %dma_start3A_270 : memref<1x40xi32, #tpu.memory_space<vmem>> -> memref<40xi32, #tpu.memory_space<vmem>>
      %dma_start3A_272 = arith.constant 0 : i32
      %dma_start3A_273 = arith.constant 0 : i32
      %dma_start3A_274 = tpu.memref_slice %arg2[%dma_start3A_272, %dma_start3A_273] : memref<10000x128xf32, #tpu.memory_space<hbm>> -> memref<10000x128xf32, #tpu.memory_space<hbm>>
      %dma_start3A_275 = tpu.memref_slice %arg14[%select_n3A_215] : memref<4x!tpu.dma_semaphore, #tpu.memory_space<semaphore_mem>> -> memref<1x!tpu.dma_semaphore, #tpu.memory_space<semaphore_mem>>
      %dma_start3A_276 = tpu.memref_squeeze %dma_start3A_275 : memref<1x!tpu.dma_semaphore, #tpu.memory_space<semaphore_mem>> -> memref<!tpu.dma_semaphore, #tpu.memory_space<semaphore_mem>>
      tpu.enqueue_indirect_dma source(%dma_start3A_274 : memref<10000x128xf32, #tpu.memory_space<hbm>>) target(%dma_start3A_268 : memref<40x128xf32, #tpu.memory_space<vmem>>) offsets(%dma_start3A_271 : memref<40xi32, #tpu.memory_space<vmem>>) semaphore(%dma_start3A_276 : memref<!tpu.dma_semaphore, #tpu.memory_space<semaphore_mem>>)
      %ge3A = arith.constant 1 : i32
      %ge3A_277 = arith.cmpi sge, %scan3A_201, %ge3A : i32
      %convert_element_type3A_278 = arith.extui %ge3A_277 : i1 to i32
      %cond3A_279 = arith.constant 0 : i32
      %cond3A_280 = arith.cmpi ne, %convert_element_type3A_278, %cond3A_279 : i32
      scf.if %cond3A_280 {
        %sub3A = arith.constant 1 : i32
        %sub3A_281 = arith.subi %scan3A_201, %sub3A : i32
        %jit3A_282 = arith.constant 4 : i32
        %eq3A_283 = arith.constant 0 : i32
        %eq3A_284 = arith.cmpi eq, %jit3A_282, %eq3A_283 : i32
        %jit3A_285 = arith.constant 1 : i32
        %select_n3A_286 = arith.select %eq3A_284, %jit3A_285, %jit3A_282 : i32
        %rem3A_287 = arith.remsi %sub3A_281, %select_n3A_286 : i32
        %ne3A_288 = arith.constant 0 : i32
        %ne3A_289 = arith.cmpi ne, %rem3A_287, %ne3A_288 : i32
        %lt3A_290 = arith.constant 0 : i32
        %lt3A_291 = arith.cmpi slt, %rem3A_287, %lt3A_290 : i32
        %lt3A_292 = arith.constant 0 : i32
        %lt3A_293 = arith.cmpi slt, %select_n3A_286, %lt3A_292 : i32
        %ne3A_294 = arith.xori %lt3A_291, %lt3A_293 : i1
        %and3A_295 = arith.andi %ne3A_294, %ne3A_289 : i1
        %add3A_296 = arith.addi %rem3A_287, %select_n3A_286 : i32
        %select_n3A_297 = arith.select %and3A_295, %add3A_296, %rem3A_287 : i32
        %dma_wait3A_298 = arith.constant 0 : i32
        %dma_wait3A_299 = arith.constant 0 : i32
        %dma_wait3A_300 = tpu.memref_slice %arg10[%select_n3A_297, %dma_wait3A_298, %dma_wait3A_299] : memref<4x40x128xf32, #tpu.memory_space<vmem>> -> memref<1x40x128xf32, #tpu.memory_space<vmem>>
        %dma_wait3A_301 = tpu.memref_squeeze %dma_wait3A_300 : memref<1x40x128xf32, #tpu.memory_space<vmem>> -> memref<40x128xf32, #tpu.memory_space<vmem>>
        %dma_wait3A_302 = arith.constant 0 : i32
        %dma_wait3A_303 = tpu.memref_slice %arg8[%select_n3A_297, %dma_wait3A_302] : memref<4x40xi32, #tpu.memory_space<vmem>> -> memref<1x40xi32, #tpu.memory_space<vmem>>
        %dma_wait3A_304 = tpu.memref_squeeze %dma_wait3A_303 : memref<1x40xi32, #tpu.memory_space<vmem>> -> memref<40xi32, #tpu.memory_space<vmem>>
        %dma_wait3A_305 = arith.constant 0 : i32
        %dma_wait3A_306 = arith.constant 0 : i32
        %dma_wait3A_307 = tpu.memref_slice %arg2[%dma_wait3A_305, %dma_wait3A_306] : memref<10000x128xf32, #tpu.memory_space<hbm>> -> memref<10000x128xf32, #tpu.memory_space<hbm>>
        %dma_wait3A_308 = tpu.memref_slice %arg14[%select_n3A_297] : memref<4x!tpu.dma_semaphore, #tpu.memory_space<semaphore_mem>> -> memref<1x!tpu.dma_semaphore, #tpu.memory_space<semaphore_mem>>
        %dma_wait3A_309 = tpu.memref_squeeze %dma_wait3A_308 : memref<1x!tpu.dma_semaphore, #tpu.memory_space<semaphore_mem>> -> memref<!tpu.dma_semaphore, #tpu.memory_space<semaphore_mem>>
        tpu.wait_indirect_dma semaphore(%dma_wait3A_309 : memref<!tpu.dma_semaphore, #tpu.memory_space<semaphore_mem>>) src(%dma_wait3A_307 : memref<10000x128xf32, #tpu.memory_space<hbm>>) dst(%dma_wait3A_301 : memref<40x128xf32, #tpu.memory_space<vmem>>)
        %dma_start3A_310 = arith.constant 0 : i32
        %dma_start3A_311 = arith.constant 0 : i32
        %dma_start3A_312 = tpu.memref_slice %arg10[%select_n3A_297, %dma_start3A_310, %dma_start3A_311] : memref<4x40x128xf32, #tpu.memory_space<vmem>> -> memref<1x40x128xf32, #tpu.memory_space<vmem>>
        %dma_start3A_313 = tpu.memref_squeeze %dma_start3A_312 : memref<1x40x128xf32, #tpu.memory_space<vmem>> -> memref<40x128xf32, #tpu.memory_space<vmem>>
        %dma_start3A_314 = arith.constant 0 : i32
        %dma_start3A_315 = tpu.memref_slice %arg9[%select_n3A_297, %dma_start3A_314] : memref<4x40xi32, #tpu.memory_space<vmem>> -> memref<1x40xi32, #tpu.memory_space<vmem>>
        %dma_start3A_316 = tpu.memref_squeeze %dma_start3A_315 : memref<1x40xi32, #tpu.memory_space<vmem>> -> memref<40xi32, #tpu.memory_space<vmem>>
        %dma_start3A_317 = arith.constant 0 : i32
        %dma_start3A_318 = arith.constant 0 : i32
        %dma_start3A_319 = tpu.memref_slice %arg12[%dma_start3A_317, %dma_start3A_318] : memref<10240x128xf32, #tpu.memory_space<vmem_shared>> -> memref<10240x128xf32, #tpu.memory_space<vmem_shared>>
        %dma_start3A_320 = tpu.memref_slice %arg15[%select_n3A_297] : memref<4x!tpu.dma_semaphore, #tpu.memory_space<semaphore_mem>> -> memref<1x!tpu.dma_semaphore, #tpu.memory_space<semaphore_mem>>
        %dma_start3A_321 = tpu.memref_squeeze %dma_start3A_320 : memref<1x!tpu.dma_semaphore, #tpu.memory_space<semaphore_mem>> -> memref<!tpu.dma_semaphore, #tpu.memory_space<semaphore_mem>>
        tpu.enqueue_indirect_dma source(%dma_start3A_313 : memref<40x128xf32, #tpu.memory_space<vmem>>) target(%dma_start3A_319 : memref<10240x128xf32, #tpu.memory_space<vmem_shared>>) offsets(%dma_start3A_316 : memref<40xi32, #tpu.memory_space<vmem>>) semaphore(%dma_start3A_321 : memref<!tpu.dma_semaphore, #tpu.memory_space<semaphore_mem>>) {add = true}
      } else {
      }
    }
    %scan3A_50 = arith.constant 250 : i32
    %dma_wait3A = arith.constant 1 : i32
    %dma_wait3A_51 = arith.constant 1 : i32
    %dma_wait3A_52 = arith.constant 1 : i32
    %dma_wait3A_53 = arith.constant 0 : i32
    %dma_wait3A_54 = arith.constant 0 : i32
    %dma_wait3A_55 = tpu.memref_slice %arg10[%dma_wait3A_51, %dma_wait3A_53, %dma_wait3A_54] : memref<4x40x128xf32, #tpu.memory_space<vmem>> -> memref<1x40x128xf32, #tpu.memory_space<vmem>>
    %dma_wait3A_56 = tpu.memref_squeeze %dma_wait3A_55 : memref<1x40x128xf32, #tpu.memory_space<vmem>> -> memref<40x128xf32, #tpu.memory_space<vmem>>
    %dma_wait3A_57 = arith.constant 0 : i32
    %dma_wait3A_58 = tpu.memref_slice %arg8[%dma_wait3A, %dma_wait3A_57] : memref<4x40xi32, #tpu.memory_space<vmem>> -> memref<1x40xi32, #tpu.memory_space<vmem>>
    %dma_wait3A_59 = tpu.memref_squeeze %dma_wait3A_58 : memref<1x40xi32, #tpu.memory_space<vmem>> -> memref<40xi32, #tpu.memory_space<vmem>>
    %dma_wait3A_60 = arith.constant 0 : i32
    %dma_wait3A_61 = arith.constant 0 : i32
    %dma_wait3A_62 = tpu.memref_slice %arg2[%dma_wait3A_60, %dma_wait3A_61] : memref<10000x128xf32, #tpu.memory_space<hbm>> -> memref<10000x128xf32, #tpu.memory_space<hbm>>
    %dma_wait3A_63 = tpu.memref_slice %arg14[%dma_wait3A_52] : memref<4x!tpu.dma_semaphore, #tpu.memory_space<semaphore_mem>> -> memref<1x!tpu.dma_semaphore, #tpu.memory_space<semaphore_mem>>
    %dma_wait3A_64 = tpu.memref_squeeze %dma_wait3A_63 : memref<1x!tpu.dma_semaphore, #tpu.memory_space<semaphore_mem>> -> memref<!tpu.dma_semaphore, #tpu.memory_space<semaphore_mem>>
    tpu.wait_indirect_dma semaphore(%dma_wait3A_64 : memref<!tpu.dma_semaphore, #tpu.memory_space<semaphore_mem>>) src(%dma_wait3A_62 : memref<10000x128xf32, #tpu.memory_space<hbm>>) dst(%dma_wait3A_56 : memref<40x128xf32, #tpu.memory_space<vmem>>)
    %dma_start3A_65 = arith.constant 1 : i32
    %dma_start3A_66 = arith.constant 1 : i32
    %dma_start3A_67 = arith.constant 1 : i32
    %dma_start3A_68 = arith.constant 0 : i32
    %dma_start3A_69 = arith.constant 0 : i32
    %dma_start3A_70 = tpu.memref_slice %arg10[%dma_start3A_65, %dma_start3A_68, %dma_start3A_69] : memref<4x40x128xf32, #tpu.memory_space<vmem>> -> memref<1x40x128xf32, #tpu.memory_space<vmem>>
    %dma_start3A_71 = tpu.memref_squeeze %dma_start3A_70 : memref<1x40x128xf32, #tpu.memory_space<vmem>> -> memref<40x128xf32, #tpu.memory_space<vmem>>
    %dma_start3A_72 = arith.constant 0 : i32
    %dma_start3A_73 = tpu.memref_slice %arg9[%dma_start3A_66, %dma_start3A_72] : memref<4x40xi32, #tpu.memory_space<vmem>> -> memref<1x40xi32, #tpu.memory_space<vmem>>
    %dma_start3A_74 = tpu.memref_squeeze %dma_start3A_73 : memref<1x40xi32, #tpu.memory_space<vmem>> -> memref<40xi32, #tpu.memory_space<vmem>>
    %dma_start3A_75 = arith.constant 0 : i32
    %dma_start3A_76 = arith.constant 0 : i32
    %dma_start3A_77 = tpu.memref_slice %arg12[%dma_start3A_75, %dma_start3A_76] : memref<10240x128xf32, #tpu.memory_space<vmem_shared>> -> memref<10240x128xf32, #tpu.memory_space<vmem_shared>>
    %dma_start3A_78 = tpu.memref_slice %arg15[%dma_start3A_67] : memref<4x!tpu.dma_semaphore, #tpu.memory_space<semaphore_mem>> -> memref<1x!tpu.dma_semaphore, #tpu.memory_space<semaphore_mem>>
    %dma_start3A_79 = tpu.memref_squeeze %dma_start3A_78 : memref<1x!tpu.dma_semaphore, #tpu.memory_space<semaphore_mem>> -> memref<!tpu.dma_semaphore, #tpu.memory_space<semaphore_mem>>
    tpu.enqueue_indirect_dma source(%dma_start3A_71 : memref<40x128xf32, #tpu.memory_space<vmem>>) target(%dma_start3A_77 : memref<10240x128xf32, #tpu.memory_space<vmem_shared>>) offsets(%dma_start3A_74 : memref<40xi32, #tpu.memory_space<vmem>>) semaphore(%dma_start3A_79 : memref<!tpu.dma_semaphore, #tpu.memory_space<semaphore_mem>>) {add = true}
    %dma_wait3A_80 = arith.constant 2 : i32
    %dma_wait3A_81 = arith.constant 2 : i32
    %dma_wait3A_82 = arith.constant 2 : i32
    %dma_wait3A_83 = arith.constant 0 : i32
    %dma_wait3A_84 = arith.constant 0 : i32
    %dma_wait3A_85 = tpu.memref_slice %arg10[%dma_wait3A_80, %dma_wait3A_83, %dma_wait3A_84] : memref<4x40x128xf32, #tpu.memory_space<vmem>> -> memref<1x40x128xf32, #tpu.memory_space<vmem>>
    %dma_wait3A_86 = tpu.memref_squeeze %dma_wait3A_85 : memref<1x40x128xf32, #tpu.memory_space<vmem>> -> memref<40x128xf32, #tpu.memory_space<vmem>>
    %dma_wait3A_87 = arith.constant 0 : i32
    %dma_wait3A_88 = tpu.memref_slice %arg9[%dma_wait3A_81, %dma_wait3A_87] : memref<4x40xi32, #tpu.memory_space<vmem>> -> memref<1x40xi32, #tpu.memory_space<vmem>>
    %dma_wait3A_89 = tpu.memref_squeeze %dma_wait3A_88 : memref<1x40xi32, #tpu.memory_space<vmem>> -> memref<40xi32, #tpu.memory_space<vmem>>
    %dma_wait3A_90 = arith.constant 0 : i32
    %dma_wait3A_91 = arith.constant 0 : i32
    %dma_wait3A_92 = tpu.memref_slice %arg12[%dma_wait3A_90, %dma_wait3A_91] : memref<10240x128xf32, #tpu.memory_space<vmem_shared>> -> memref<10240x128xf32, #tpu.memory_space<vmem_shared>>
    %dma_wait3A_93 = tpu.memref_slice %arg15[%dma_wait3A_82] : memref<4x!tpu.dma_semaphore, #tpu.memory_space<semaphore_mem>> -> memref<1x!tpu.dma_semaphore, #tpu.memory_space<semaphore_mem>>
    %dma_wait3A_94 = tpu.memref_squeeze %dma_wait3A_93 : memref<1x!tpu.dma_semaphore, #tpu.memory_space<semaphore_mem>> -> memref<!tpu.dma_semaphore, #tpu.memory_space<semaphore_mem>>
    tpu.wait_indirect_dma semaphore(%dma_wait3A_94 : memref<!tpu.dma_semaphore, #tpu.memory_space<semaphore_mem>>) src(%dma_wait3A_86 : memref<40x128xf32, #tpu.memory_space<vmem>>) dst(%dma_wait3A_92 : memref<10240x128xf32, #tpu.memory_space<vmem_shared>>)
    %dma_wait3A_95 = arith.constant 2 : i32
    %dma_wait3A_96 = arith.constant 2 : i32
    %dma_wait3A_97 = arith.constant 2 : i32
    %dma_wait3A_98 = arith.constant 0 : i32
    %dma_wait3A_99 = arith.constant 0 : i32
    %dma_wait3A_100 = tpu.memref_slice %arg11[%dma_wait3A_95, %dma_wait3A_98, %dma_wait3A_99] : memref<4x40x128xf32, #tpu.memory_space<vmem>> -> memref<1x40x128xf32, #tpu.memory_space<vmem>>
    %dma_wait3A_101 = tpu.memref_squeeze %dma_wait3A_100 : memref<1x40x128xf32, #tpu.memory_space<vmem>> -> memref<40x128xf32, #tpu.memory_space<vmem>>
    %dma_wait3A_102 = arith.constant 0 : i32
    %dma_wait3A_103 = tpu.memref_slice %arg9[%dma_wait3A_96, %dma_wait3A_102] : memref<4x40xi32, #tpu.memory_space<vmem>> -> memref<1x40xi32, #tpu.memory_space<vmem>>
    %dma_wait3A_104 = tpu.memref_squeeze %dma_wait3A_103 : memref<1x40xi32, #tpu.memory_space<vmem>> -> memref<40xi32, #tpu.memory_space<vmem>>
    %dma_wait3A_105 = arith.constant 0 : i32
    %dma_wait3A_106 = arith.constant 0 : i32
    %dma_wait3A_107 = tpu.memref_slice %arg12[%dma_wait3A_105, %dma_wait3A_106] : memref<10240x128xf32, #tpu.memory_space<vmem_shared>> -> memref<10240x128xf32, #tpu.memory_space<vmem_shared>>
    %dma_wait3A_108 = tpu.memref_slice %arg15[%dma_wait3A_97] : memref<4x!tpu.dma_semaphore, #tpu.memory_space<semaphore_mem>> -> memref<1x!tpu.dma_semaphore, #tpu.memory_space<semaphore_mem>>
    %dma_wait3A_109 = tpu.memref_squeeze %dma_wait3A_108 : memref<1x!tpu.dma_semaphore, #tpu.memory_space<semaphore_mem>> -> memref<!tpu.dma_semaphore, #tpu.memory_space<semaphore_mem>>
    tpu.wait_indirect_dma semaphore(%dma_wait3A_109 : memref<!tpu.dma_semaphore, #tpu.memory_space<semaphore_mem>>) src(%dma_wait3A_101 : memref<40x128xf32, #tpu.memory_space<vmem>>) dst(%dma_wait3A_107 : memref<10240x128xf32, #tpu.memory_space<vmem_shared>>)
    %dma_wait3A_110 = arith.constant 3 : i32
    %dma_wait3A_111 = arith.constant 3 : i32
    %dma_wait3A_112 = arith.constant 3 : i32
    %dma_wait3A_113 = arith.constant 0 : i32
    %dma_wait3A_114 = arith.constant 0 : i32
    %dma_wait3A_115 = tpu.memref_slice %arg10[%dma_wait3A_110, %dma_wait3A_113, %dma_wait3A_114] : memref<4x40x128xf32, #tpu.memory_space<vmem>> -> memref<1x40x128xf32, #tpu.memory_space<vmem>>
    %dma_wait3A_116 = tpu.memref_squeeze %dma_wait3A_115 : memref<1x40x128xf32, #tpu.memory_space<vmem>> -> memref<40x128xf32, #tpu.memory_space<vmem>>
    %dma_wait3A_117 = arith.constant 0 : i32
    %dma_wait3A_118 = tpu.memref_slice %arg9[%dma_wait3A_111, %dma_wait3A_117] : memref<4x40xi32, #tpu.memory_space<vmem>> -> memref<1x40xi32, #tpu.memory_space<vmem>>
    %dma_wait3A_119 = tpu.memref_squeeze %dma_wait3A_118 : memref<1x40xi32, #tpu.memory_space<vmem>> -> memref<40xi32, #tpu.memory_space<vmem>>
    %dma_wait3A_120 = arith.constant 0 : i32
    %dma_wait3A_121 = arith.constant 0 : i32
    %dma_wait3A_122 = tpu.memref_slice %arg12[%dma_wait3A_120, %dma_wait3A_121] : memref<10240x128xf32, #tpu.memory_space<vmem_shared>> -> memref<10240x128xf32, #tpu.memory_space<vmem_shared>>
    %dma_wait3A_123 = tpu.memref_slice %arg15[%dma_wait3A_112] : memref<4x!tpu.dma_semaphore, #tpu.memory_space<semaphore_mem>> -> memref<1x!tpu.dma_semaphore, #tpu.memory_space<semaphore_mem>>
    %dma_wait3A_124 = tpu.memref_squeeze %dma_wait3A_123 : memref<1x!tpu.dma_semaphore, #tpu.memory_space<semaphore_mem>> -> memref<!tpu.dma_semaphore, #tpu.memory_space<semaphore_mem>>
    tpu.wait_indirect_dma semaphore(%dma_wait3A_124 : memref<!tpu.dma_semaphore, #tpu.memory_space<semaphore_mem>>) src(%dma_wait3A_116 : memref<40x128xf32, #tpu.memory_space<vmem>>) dst(%dma_wait3A_122 : memref<10240x128xf32, #tpu.memory_space<vmem_shared>>)
    %dma_wait3A_125 = arith.constant 3 : i32
    %dma_wait3A_126 = arith.constant 3 : i32
    %dma_wait3A_127 = arith.constant 3 : i32
    %dma_wait3A_128 = arith.constant 0 : i32
    %dma_wait3A_129 = arith.constant 0 : i32
    %dma_wait3A_130 = tpu.memref_slice %arg11[%dma_wait3A_125, %dma_wait3A_128, %dma_wait3A_129] : memref<4x40x128xf32, #tpu.memory_space<vmem>> -> memref<1x40x128xf32, #tpu.memory_space<vmem>>
    %dma_wait3A_131 = tpu.memref_squeeze %dma_wait3A_130 : memref<1x40x128xf32, #tpu.memory_space<vmem>> -> memref<40x128xf32, #tpu.memory_space<vmem>>
    %dma_wait3A_132 = arith.constant 0 : i32
    %dma_wait3A_133 = tpu.memref_slice %arg9[%dma_wait3A_126, %dma_wait3A_132] : memref<4x40xi32, #tpu.memory_space<vmem>> -> memref<1x40xi32, #tpu.memory_space<vmem>>
    %dma_wait3A_134 = tpu.memref_squeeze %dma_wait3A_133 : memref<1x40xi32, #tpu.memory_space<vmem>> -> memref<40xi32, #tpu.memory_space<vmem>>
    %dma_wait3A_135 = arith.constant 0 : i32
    %dma_wait3A_136 = arith.constant 0 : i32
    %dma_wait3A_137 = tpu.memref_slice %arg12[%dma_wait3A_135, %dma_wait3A_136] : memref<10240x128xf32, #tpu.memory_space<vmem_shared>> -> memref<10240x128xf32, #tpu.memory_space<vmem_shared>>
    %dma_wait3A_138 = tpu.memref_slice %arg15[%dma_wait3A_127] : memref<4x!tpu.dma_semaphore, #tpu.memory_space<semaphore_mem>> -> memref<1x!tpu.dma_semaphore, #tpu.memory_space<semaphore_mem>>
    %dma_wait3A_139 = tpu.memref_squeeze %dma_wait3A_138 : memref<1x!tpu.dma_semaphore, #tpu.memory_space<semaphore_mem>> -> memref<!tpu.dma_semaphore, #tpu.memory_space<semaphore_mem>>
    tpu.wait_indirect_dma semaphore(%dma_wait3A_139 : memref<!tpu.dma_semaphore, #tpu.memory_space<semaphore_mem>>) src(%dma_wait3A_131 : memref<40x128xf32, #tpu.memory_space<vmem>>) dst(%dma_wait3A_137 : memref<10240x128xf32, #tpu.memory_space<vmem_shared>>)
    %dma_wait3A_140 = arith.constant 0 : i32
    %dma_wait3A_141 = arith.constant 0 : i32
    %dma_wait3A_142 = arith.constant 0 : i32
    %dma_wait3A_143 = arith.constant 0 : i32
    %dma_wait3A_144 = arith.constant 0 : i32
    %dma_wait3A_145 = tpu.memref_slice %arg10[%dma_wait3A_140, %dma_wait3A_143, %dma_wait3A_144] : memref<4x40x128xf32, #tpu.memory_space<vmem>> -> memref<1x40x128xf32, #tpu.memory_space<vmem>>
    %dma_wait3A_146 = tpu.memref_squeeze %dma_wait3A_145 : memref<1x40x128xf32, #tpu.memory_space<vmem>> -> memref<40x128xf32, #tpu.memory_space<vmem>>
    %dma_wait3A_147 = arith.constant 0 : i32
    %dma_wait3A_148 = tpu.memref_slice %arg9[%dma_wait3A_141, %dma_wait3A_147] : memref<4x40xi32, #tpu.memory_space<vmem>> -> memref<1x40xi32, #tpu.memory_space<vmem>>
    %dma_wait3A_149 = tpu.memref_squeeze %dma_wait3A_148 : memref<1x40xi32, #tpu.memory_space<vmem>> -> memref<40xi32, #tpu.memory_space<vmem>>
    %dma_wait3A_150 = arith.constant 0 : i32
    %dma_wait3A_151 = arith.constant 0 : i32
    %dma_wait3A_152 = tpu.memref_slice %arg12[%dma_wait3A_150, %dma_wait3A_151] : memref<10240x128xf32, #tpu.memory_space<vmem_shared>> -> memref<10240x128xf32, #tpu.memory_space<vmem_shared>>
    %dma_wait3A_153 = tpu.memref_slice %arg15[%dma_wait3A_142] : memref<4x!tpu.dma_semaphore, #tpu.memory_space<semaphore_mem>> -> memref<1x!tpu.dma_semaphore, #tpu.memory_space<semaphore_mem>>
    %dma_wait3A_154 = tpu.memref_squeeze %dma_wait3A_153 : memref<1x!tpu.dma_semaphore, #tpu.memory_space<semaphore_mem>> -> memref<!tpu.dma_semaphore, #tpu.memory_space<semaphore_mem>>
    tpu.wait_indirect_dma semaphore(%dma_wait3A_154 : memref<!tpu.dma_semaphore, #tpu.memory_space<semaphore_mem>>) src(%dma_wait3A_146 : memref<40x128xf32, #tpu.memory_space<vmem>>) dst(%dma_wait3A_152 : memref<10240x128xf32, #tpu.memory_space<vmem_shared>>)
    %dma_wait3A_155 = arith.constant 0 : i32
    %dma_wait3A_156 = arith.constant 0 : i32
    %dma_wait3A_157 = arith.constant 0 : i32
    %dma_wait3A_158 = arith.constant 0 : i32
    %dma_wait3A_159 = arith.constant 0 : i32
    %dma_wait3A_160 = tpu.memref_slice %arg11[%dma_wait3A_155, %dma_wait3A_158, %dma_wait3A_159] : memref<4x40x128xf32, #tpu.memory_space<vmem>> -> memref<1x40x128xf32, #tpu.memory_space<vmem>>
    %dma_wait3A_161 = tpu.memref_squeeze %dma_wait3A_160 : memref<1x40x128xf32, #tpu.memory_space<vmem>> -> memref<40x128xf32, #tpu.memory_space<vmem>>
    %dma_wait3A_162 = arith.constant 0 : i32
    %dma_wait3A_163 = tpu.memref_slice %arg9[%dma_wait3A_156, %dma_wait3A_162] : memref<4x40xi32, #tpu.memory_space<vmem>> -> memref<1x40xi32, #tpu.memory_space<vmem>>
    %dma_wait3A_164 = tpu.memref_squeeze %dma_wait3A_163 : memref<1x40xi32, #tpu.memory_space<vmem>> -> memref<40xi32, #tpu.memory_space<vmem>>
    %dma_wait3A_165 = arith.constant 0 : i32
    %dma_wait3A_166 = arith.constant 0 : i32
    %dma_wait3A_167 = tpu.memref_slice %arg12[%dma_wait3A_165, %dma_wait3A_166] : memref<10240x128xf32, #tpu.memory_space<vmem_shared>> -> memref<10240x128xf32, #tpu.memory_space<vmem_shared>>
    %dma_wait3A_168 = tpu.memref_slice %arg15[%dma_wait3A_157] : memref<4x!tpu.dma_semaphore, #tpu.memory_space<semaphore_mem>> -> memref<1x!tpu.dma_semaphore, #tpu.memory_space<semaphore_mem>>
    %dma_wait3A_169 = tpu.memref_squeeze %dma_wait3A_168 : memref<1x!tpu.dma_semaphore, #tpu.memory_space<semaphore_mem>> -> memref<!tpu.dma_semaphore, #tpu.memory_space<semaphore_mem>>
    tpu.wait_indirect_dma semaphore(%dma_wait3A_169 : memref<!tpu.dma_semaphore, #tpu.memory_space<semaphore_mem>>) src(%dma_wait3A_161 : memref<40x128xf32, #tpu.memory_space<vmem>>) dst(%dma_wait3A_167 : memref<10240x128xf32, #tpu.memory_space<vmem_shared>>)
    %dma_wait3A_170 = arith.constant 1 : i32
    %dma_wait3A_171 = arith.constant 1 : i32
    %dma_wait3A_172 = arith.constant 1 : i32
    %dma_wait3A_173 = arith.constant 0 : i32
    %dma_wait3A_174 = arith.constant 0 : i32
    %dma_wait3A_175 = tpu.memref_slice %arg10[%dma_wait3A_170, %dma_wait3A_173, %dma_wait3A_174] : memref<4x40x128xf32, #tpu.memory_space<vmem>> -> memref<1x40x128xf32, #tpu.memory_space<vmem>>
    %dma_wait3A_176 = tpu.memref_squeeze %dma_wait3A_175 : memref<1x40x128xf32, #tpu.memory_space<vmem>> -> memref<40x128xf32, #tpu.memory_space<vmem>>
    %dma_wait3A_177 = arith.constant 0 : i32
    %dma_wait3A_178 = tpu.memref_slice %arg9[%dma_wait3A_171, %dma_wait3A_177] : memref<4x40xi32, #tpu.memory_space<vmem>> -> memref<1x40xi32, #tpu.memory_space<vmem>>
    %dma_wait3A_179 = tpu.memref_squeeze %dma_wait3A_178 : memref<1x40xi32, #tpu.memory_space<vmem>> -> memref<40xi32, #tpu.memory_space<vmem>>
    %dma_wait3A_180 = arith.constant 0 : i32
    %dma_wait3A_181 = arith.constant 0 : i32
    %dma_wait3A_182 = tpu.memref_slice %arg12[%dma_wait3A_180, %dma_wait3A_181] : memref<10240x128xf32, #tpu.memory_space<vmem_shared>> -> memref<10240x128xf32, #tpu.memory_space<vmem_shared>>
    %dma_wait3A_183 = tpu.memref_slice %arg15[%dma_wait3A_172] : memref<4x!tpu.dma_semaphore, #tpu.memory_space<semaphore_mem>> -> memref<1x!tpu.dma_semaphore, #tpu.memory_space<semaphore_mem>>
    %dma_wait3A_184 = tpu.memref_squeeze %dma_wait3A_183 : memref<1x!tpu.dma_semaphore, #tpu.memory_space<semaphore_mem>> -> memref<!tpu.dma_semaphore, #tpu.memory_space<semaphore_mem>>
    tpu.wait_indirect_dma semaphore(%dma_wait3A_184 : memref<!tpu.dma_semaphore, #tpu.memory_space<semaphore_mem>>) src(%dma_wait3A_176 : memref<40x128xf32, #tpu.memory_space<vmem>>) dst(%dma_wait3A_182 : memref<10240x128xf32, #tpu.memory_space<vmem_shared>>)
    %dma_wait3A_185 = arith.constant 1 : i32
    %dma_wait3A_186 = arith.constant 1 : i32
    %dma_wait3A_187 = arith.constant 1 : i32
    %dma_wait3A_188 = arith.constant 0 : i32
    %dma_wait3A_189 = arith.constant 0 : i32
    %dma_wait3A_190 = tpu.memref_slice %arg11[%dma_wait3A_185, %dma_wait3A_188, %dma_wait3A_189] : memref<4x40x128xf32, #tpu.memory_space<vmem>> -> memref<1x40x128xf32, #tpu.memory_space<vmem>>
    %dma_wait3A_191 = tpu.memref_squeeze %dma_wait3A_190 : memref<1x40x128xf32, #tpu.memory_space<vmem>> -> memref<40x128xf32, #tpu.memory_space<vmem>>
    %dma_wait3A_192 = arith.constant 0 : i32
    %dma_wait3A_193 = tpu.memref_slice %arg9[%dma_wait3A_186, %dma_wait3A_192] : memref<4x40xi32, #tpu.memory_space<vmem>> -> memref<1x40xi32, #tpu.memory_space<vmem>>
    %dma_wait3A_194 = tpu.memref_squeeze %dma_wait3A_193 : memref<1x40xi32, #tpu.memory_space<vmem>> -> memref<40xi32, #tpu.memory_space<vmem>>
    %dma_wait3A_195 = arith.constant 0 : i32
    %dma_wait3A_196 = arith.constant 0 : i32
    %dma_wait3A_197 = tpu.memref_slice %arg12[%dma_wait3A_195, %dma_wait3A_196] : memref<10240x128xf32, #tpu.memory_space<vmem_shared>> -> memref<10240x128xf32, #tpu.memory_space<vmem_shared>>
    %dma_wait3A_198 = tpu.memref_slice %arg15[%dma_wait3A_187] : memref<4x!tpu.dma_semaphore, #tpu.memory_space<semaphore_mem>> -> memref<1x!tpu.dma_semaphore, #tpu.memory_space<semaphore_mem>>
    %dma_wait3A_199 = tpu.memref_squeeze %dma_wait3A_198 : memref<1x!tpu.dma_semaphore, #tpu.memory_space<semaphore_mem>> -> memref<!tpu.dma_semaphore, #tpu.memory_space<semaphore_mem>>
    tpu.wait_indirect_dma semaphore(%dma_wait3A_199 : memref<!tpu.dma_semaphore, #tpu.memory_space<semaphore_mem>>) src(%dma_wait3A_191 : memref<40x128xf32, #tpu.memory_space<vmem>>) dst(%dma_wait3A_197 : memref<10240x128xf32, #tpu.memory_space<vmem_shared>>)
    %barrier3A_200 = arith.constant 0 : index
    tpu.barrier barrier_id(%barrier3A_200)
    "tpu.region"() ({
      %run_scoped3A = tpu.sem_alloc : memref<!tpu.dma_semaphore, #tpu.memory_space<semaphore_mem>>
      %dma_start3A_201 = arith.constant 0 : i32
      %dma_start3A_202 = tpu.memref_slice %arg7[%arg0, %mul3A_4, %dma_start3A_201] : memref<2x10240x128xf32, #tpu.memory_space<hbm>> -> memref<1x640x128xf32, #tpu.memory_space<hbm>>
      %dma_start3A_203 = tpu.memref_squeeze %dma_start3A_202 : memref<1x640x128xf32, #tpu.memory_space<hbm>> -> memref<640x128xf32, #tpu.memory_space<hbm>>
      %dma_start3A_204 = arith.constant 0 : i32
      %dma_start3A_205 = tpu.memref_slice %arg12[%mul3A_4, %dma_start3A_204] : memref<10240x128xf32, #tpu.memory_space<vmem_shared>> -> memref<640x128xf32, #tpu.memory_space<vmem_shared>>
      tpu.enqueue_dma source(%dma_start3A_205 : memref<640x128xf32, #tpu.memory_space<vmem_shared>>) target(%dma_start3A_203 : memref<640x128xf32, #tpu.memory_space<hbm>>) target_semaphore(%run_scoped3A : memref<!tpu.dma_semaphore, #tpu.memory_space<semaphore_mem>>)
      %dma_wait3A_206 = arith.constant 0 : i32
      %dma_wait3A_207 = tpu.memref_slice %arg7[%arg0, %mul3A_4, %dma_wait3A_206] : memref<2x10240x128xf32, #tpu.memory_space<hbm>> -> memref<1x640x128xf32, #tpu.memory_space<hbm>>
      %dma_wait3A_208 = tpu.memref_squeeze %dma_wait3A_207 : memref<1x640x128xf32, #tpu.memory_space<hbm>> -> memref<640x128xf32, #tpu.memory_space<hbm>>
      %dma_wait3A_209 = arith.constant 0 : i32
      %dma_wait3A_210 = tpu.memref_slice %arg12[%mul3A_4, %dma_wait3A_209] : memref<10240x128xf32, #tpu.memory_space<vmem_shared>> -> memref<640x128xf32, #tpu.memory_space<vmem_shared>>
      tpu.wait_dma2 semaphore(%run_scoped3A : memref<!tpu.dma_semaphore, #tpu.memory_space<semaphore_mem>>) src(%dma_wait3A_210 : memref<640x128xf32, #tpu.memory_space<vmem_shared>>) dst(%dma_wait3A_208 : memref<640x128xf32, #tpu.memory_space<hbm>>)
      tpu.yield
    }) : () -> ()
    return
  }
}

</mosaic_0001>

<sc_bundles>
// kernel: _sc_segment_sum.3.cloned.1.call-start
scs
__scs_entry_jumppad:
0x0: {  	(pc) =	sbr.rel $0x88, $3  }
0x1: {  	(tag) =	ssettag $0x0;
	lr =	simm.s32 $0x1  }
0x2: {  	[smem:$0x3F9D] =	sst lr;
	_ =	strace $0xD0000000  }
0x3: {  	_ = 	snop  }
0x4: {  	_ = 	snop  }
0x5: {  	_ = 	snop  }
0x6: {  	_ = 	snop  }
0x7: {  	_ = 	snop  }
__scs_overlays_trampoline_lowered:
0x8: {  	[smem:$0x3FAC] =	sst s0  }
0x9: {  	[smem:$0x3FAD] =	sst s1  }
0xa: {  	[smem:$0x3FAE] =	sst s2  }
0xb: {  	[smem:$0x3FAF] =	sst s3  }
0xc: {  	[smem:$0x3FB0] =	sst s4  }
0xd: {  	[smem:$0x3FB1] =	sst s5  }
0xe: {  	[smem:$0x3FB2] =	sst s6  }
0xf: {  	[smem:$0x3FB3] =	sst s7  }
0x10: {  	[smem:$0x3FB4] =	sst s8  }
0x11: {  	[smem:$0x3FB5] =	sst s9;
	s0 =	simm.s32 @!p0 $0x0  }
0x12: {  	s1 =	sld [smem:$0x3F9B];
	s0 =	simm.s32 @p0 $0x1  }
0x13: {  	[smem:$0x3FB6] =	sst s0;
	s0 =	simm.s32 @!p1 $0x0  }
0x14: {  	s2 =	sld [smem:$0x3F9A];
	s0 =	simm.s32 @p1 $0x1  }
0x15: {  	[smem:$0x3FB7] =	sst s0;
	s0 =	simm.s32 @!p2 $0x0  }
0x16: {  	s3 =	sld [smem:$0x3FDB];
	s0 =	simm.s32 @p2 $0x1  }
0x17: {  	s4 =	simm.s32 $0x1BF5;
	[smem:$0x3FB9] =	sst s0  }
0x18: {  	s0 =	sld [smem:$0x3F9C];
	_ =	swait.ge [sflag:s4], $0x0  }
0x19: {  	s7 =	sld [smem:$0x3F9D]  }
0x1a: {  	s8 =	sadd.s32 $0xFFFFE003, lr  }
0x1b: {  	s9 =	sadd.s32 $0xFFFFFEF7, lr;
	s5 =	simm.s32 $0xFFFFFFFF;
	p2 =	slt.u32 s8, $0xFFFFF086  }
0x1c: {  	p1 =	slt.u32 s9, $0xF7A;
	s5 =	simm.s32 @!p2 $0x0  }
0x1d: {  	s5 =	simm.s32 @p1 $0x1;
	p0 =	seq.s32 s7, s2  }
0x1e: {  	s7 =	smul.u32 @!p0 $0xF7A, s2;
	p2 =	seq.s32 @!p0 s5, $0x0  }
0x1f: {  	s9 =	smul.u32 $0xF7A, s1;
	s8 =	simm.s32 @!p0 $0x1BF5;
	p2 =	por !p2, p0  }
0x20: {  	[sflag:s8] =	ssyncset.s32 @!p0 $0xFFFFF086;
	s6 =	sadd.s32 @!p0 s3, s7;
	s7 =	simm.s32 @!p0 $0x108  }
0x21: {  	s3 =	sadd.s32 s3, s9;
	s6 =	sadd.s32 @!p0 $0x88, s6;
	s7 =	simm.s32 @p2 $0x1082  }
0x22: {  	[simem:s7], [sflag:s8] =	dma.local @!p0 [hbm:s6], $0xF7A  }
0x23: {  	s9 =	sor.u32 $0xD0000000, s2;
	s6 =	simm.s32 $0x108;
	_ =	swait.ge @!p0 [sflag:s8], $0x0  }
0x24: {  	s3 =	sadd.s32 $0x88, s3;
	s6 =	simm.s32 @!p1 $0x1082;
	[sflag:s4] =	ssyncset.s32 $0xFFFFF086  }
0x25: {  	[simem:s6], [sflag:s4] =	dma.local [hbm:s3], $0xF7A  }
0x26: {  	[smem:$0x3F9D] =	sst s1;
	(tag) =	ssettag s2;
	_ =	strace s9  }
0x27: {  	s1 =	sld [smem:$0x3FAD]  }
0x28: {  	s2 =	sld [smem:$0x3FAE]  }
0x29: {  	s4 =	sld [smem:$0x3FB0]  }
0x2a: {  	p0 =	seq.s32 s5, $0x0;
	s5 =	sld [smem:$0x3FB1]  }
0x2b: {  	s6 =	sld [smem:$0x3FB2]  }
0x2c: {  	s7 =	sld [smem:$0x3FB3]  }
0x2d: {  	s3 =	simm.s32 $0x108;
	s8 =	sld [smem:$0x3FB4]  }
0x2e: {  	s3 =	simm.s32 @!p0 $0x1082;
	s9 =	sld [smem:$0x3FB5]  }
0x2f: {  	lr =	sadd.s32 s0, s3;
	s0 =	sld [smem:$0x3FAC]  }
0x30: {  	s3 =	sld [smem:$0x3FAF]  }
0x31: {  	[smem:$0x3FB8] =	sst s10  }
0x32: {  	s10 =	sld [smem:$0x3FB6];
	_ =	sdelay $0x3  }
0x33: {  	p0 =	seq.s32 s10, $0x1;
	s10 =	sld [smem:$0x3FB8];
	_ =	sdelay $0x3  }
0x34: {  	[smem:$0x3FB8] =	sst s10  }
0x35: {  	s10 =	sld [smem:$0x3FB7];
	_ =	sdelay $0x3  }
0x36: {  	p1 =	seq.s32 s10, $0x1;
	s10 =	sld [smem:$0x3FB8];
	_ =	sdelay $0x3  }
0x37: {  	[smem:$0x3FB8] =	sst s10  }
0x38: {  	s10 =	sld [smem:$0x3FB9]  }
0x39: {  	_ = 	snop;
	(pc) =	sbr.ind lr, $3  }
0x3a: {  	_ = 	snop  }
0x3b: {  	_ = 	snop  }
0x3c: {  	p2 =	seq.s32 s10, $0x1;
	s10 =	sld [smem:$0x3FB8]  }
0x3d: {  	_ =	shalt  }
0x3e: {  	_ =	shalt  }
0x3f: {  	_ =	shalt  }
0x40: {  	_ =	shalt  }
0x41: {  	_ =	shalt  }
0x42: {  	_ =	shalt  }
0x43: {  	_ =	shalt  }
0x44: {  	_ =	shalt  }
0x45: {  	_ =	shalt  }
0x46: {  	_ =	shalt  }
0x47: {  	_ =	shalt  }
0x48: {  	_ =	shalt  }
0x49: {  	_ =	shalt  }
0x4a: {  	_ =	shalt  }
0x4b: {  	_ =	shalt  }
0x4c: {  	_ =	shalt  }
0x4d: {  	_ =	shalt  }
0x4e: {  	_ =	shalt  }
0x4f: {  	_ =	shalt  }
0x50: {  	_ =	shalt  }
0x51: {  	_ =	shalt  }
0x52: {  	_ =	shalt  }
0x53: {  	_ =	shalt  }
0x54: {  	_ =	shalt  }
0x55: {  	_ =	shalt  }
0x56: {  	_ =	shalt  }
0x57: {  	_ =	shalt  }
0x58: {  	_ =	shalt  }
0x59: {  	_ =	shalt  }
0x5a: {  	_ =	shalt  }
0x5b: {  	_ =	shalt  }
0x5c: {  	_ =	shalt  }
0x5d: {  	_ =	shalt  }
0x5e: {  	_ =	shalt  }
0x5f: {  	_ =	shalt  }
0x60: {  	_ =	shalt  }
0x61: {  	_ =	shalt  }
0x62: {  	_ =	shalt  }
0x63: {  	_ =	shalt  }
0x64: {  	_ =	shalt  }
0x65: {  	_ =	shalt  }
0x66: {  	_ =	shalt  }
0x67: {  	_ =	shalt  }
0x68: {  	_ =	shalt  }
0x69: {  	_ =	shalt  }
0x6a: {  	_ =	shalt  }
0x6b: {  	_ =	shalt  }
0x6c: {  	_ =	shalt  }
0x6d: {  	_ =	shalt  }
0x6e: {  	_ =	shalt  }
0x6f: {  	_ =	shalt  }
0x70: {  	_ =	shalt  }
0x71: {  	_ =	shalt  }
0x72: {  	_ =	shalt  }
0x73: {  	_ =	shalt  }
0x74: {  	_ =	shalt  }
0x75: {  	_ =	shalt  }
0x76: {  	_ =	shalt  }
0x77: {  	_ =	shalt  }
0x78: {  	_ =	shalt  }
0x79: {  	_ =	shalt  }
0x7a: {  	_ =	shalt  }
0x7b: {  	_ =	shalt  }
0x7c: {  	_ =	shalt  }
0x7d: {  	_ =	shalt  }
0x7e: {  	_ =	shalt  }
0x7f: {  	_ =	shalt  }
0x80: {  	_ =	shalt  }
0x81: {  	_ =	shalt  }
0x82: {  	_ =	shalt  }
0x83: {  	_ =	shalt  }
0x84: {  	_ =	shalt  }
0x85: {  	_ =	shalt  }
0x86: {  	_ =	shalt  }
0x87: {  	_ =	shalt  }
.Lfunc_end0:
.L_simem_size_0:
called_computation_lowered:
.L_overlay_start_0:
0x88: {  	s2 =	sld [smem:$0x3FD9]  }
0x89: {  	s3 =	sld [smem:$0x3FFE];
	_ =	sdelay $0x1  }
0x8a: {  	s1 =	srdreg.scid  }
0x8b: {  	s0 =	sand.u32 $0x1, s1  }
0x8c: {  	s17 =	sshll.u32 s0, $0xA;
	s2 =	sadd.s32 s3, s2  }
0x8d: {  	s2 =	sadd.s32 s2, s17  }
0x8e: {  	[smem:$0x3FC4] =	sst s2  }
0x8f: {  	_ = 	snop  }
0x90: {  	s2 =	sld [smem:$0x3FC9]  }
0x91: {  	s18 =	sld [smem:$0x3FC8]  }
0x92: {  	s4 =	sld [smem:$0x3FC7]  }
0x93: {  	s5 =	sld [smem:$0x3FC6]  }
0x94: {  	s6 =	sld [smem:$0x3FD0];
	(tm) =	ssettm $0x1  }
0x95: {  	s7 =	sld [smem:$0x3FFB];
	_ =	sdelay $0x3  }
0x96: {  	_ =	strace s7  }
0x97: {  	s7 =	sld [smem:$0x3FFC];
	_ =	sdelay $0x3  }
0x98: {  	_ =	strace s7  }
0x99: {  	s7 =	sld [smem:$0x3FFD];
	_ =	sdelay $0x3  }
0x9a: {  	_ =	strace s7  }
0x9b: {  	_ =	strace $0x8FFFFFFF  }
0x9c: {  	s19 =	sld [smem:$0x3FDB];
	_ =	sdelay $0x1  }
0x9d: {  	s8 =	simm.s32 $_scs_section_size  }
0x9e: {  	s9 =	simm.s32 $_size__tile_overlayer_lowered;
	s10 =	simm.s32 $_tile_overlayer_lowered  }
0x9f: {  	s22 =	simm.s32 $0x1BFF;
	s21 =	sshll.u32 s10, $0x1;
	s7 =	sadd.s32 s8, s19  }
0xa0: {  	s11 =	simm.s32 $0x0;
	s20 =	sshll.u32 s9, $0x1;
	s9 =	sadd.s32 s21, s7  }
0xa1: {  	[timem:s11], [sflag:s22] =	dma.local [hbm:s9], s20  }
0xa2: {  	_ =	swait.ge [sflag:s22], s20  }
0xa3: {  	s8 =	ssub.s32 $0x0, s20;
	[sflag:s22] =	ssyncset.done $0x0  }
0xa4: {  	[sflag:s22] =	ssyncadd.s32 s8;
	_ =	sdelay $0x1  }
0xa5: {  	s23 =	simm.s32 $0x1B8B  }
0xa6: {  	_ =	swait.ge [sflag:s23], $0x1  }
0xa7: {  	[sflag:s23] =	ssyncset.done $0x0  }
0xa8: {  	s25 =	simm.s32 $0x1B8E;
	s24 =	sld [smem:$0x3FFE];
	[sflag:s23] =	ssyncadd.s32 $0xFFFFFFFF  }
0xa9: {  	s26 =	simm.s32 $execute0_lowered;
	[smem:$0x3FD2] =	sst s25  }
0xaa: {  	s9 =	sshll.u32 s26, $0x1;
	_ =	strace $0x80000046;
	[dreg:$0x1] =	wrdreg $0xFFFFFFFF  }
0xab: {  	s28 =	simm.s32 $_size_execute0_lowered;
	s7 =	sadd.s32 s7, s9;
	[dreg:$0x0] =	wrdreg $0x0  }
0xac: {  	s9 =	sshll.u32 s28, $0x1;
	[dreg:$0x2] =	wrdreg s7  }
0xad: {  	[dreg:$0x3] =	wrdreg s9  }
0xae: {  	[dreg:$0x4] =	wrdreg $0xC0  }
0xaf: {  	_ =	task [dreg:s11], $0x5FFFF  }
0xb0: {  	[dreg:$0x1] =	wrdreg $0xFFFFFFFF  }
0xb1: {  	[dreg:$0x0] =	wrdreg $0x60  }
0xb2: {  	[dreg:$0x2] =	wrdreg s2  }
0xb3: {  	[dreg:$0x3] =	wrdreg s18  }
0xb4: {  	[dreg:$0x4] =	wrdreg s4  }
0xb5: {  	[dreg:$0x5] =	wrdreg s5  }
0xb6: {  	[dreg:$0x6] =	wrdreg s24  }
0xb7: {  	[dreg:$0x7] =	wrdreg s6  }
0xb8: {  	[dreg:$0x8] =	wrdreg $0xA4000  }
0xb9: {  	[dreg:$0x9] =	wrdreg $0x9  }
0xba: {  	_ =	task.clear_ibuf [dreg:s11], $0xAFFFF;
	_ =	strace $0x90000046  }
0xbb: {  	s29 =	simm.s32 $0x9;
	_ =	strace $0x80000048  }
0xbc: {  	_ =	swait.ge [sflag:s29], $0x1  }
0xbd: {  	[sflag:s29] =	ssyncadd.s32 $0xFFFFFFFF  }
0xbe: {  	_ =	strace $0x90000048  }
0xbf: {  	_ =	sfence  }
0xc0: {  	s30 =	sld [smem:$0x0];
	_ =	sdelay $0x2  }
0xc1: {  	s31 =	sshll.u32 s1, $0xD;
	s1 =	sshrl.u32 s1, $0x2  }
0xc2: {  	s3 =	sand.u32 $0x4000, s31;
	s1 =	sadd.s32 s1, s30  }
0xc3: {  	s0 =	sor.u32 s3, s0;
	s1 =	sshll.u32 s1, $0x11  }
0xc4: {  	s0 =	sor.u32 s1, s0  }
0xc5: {  	s0 =	sadd.s32 $0x8F2B, s0  }
0xc6: {  	[sflag:s0] =	ssyncadd.remote.s32 $0x1  }
0xc7: {  	_ =	sfence.sel $0xFFFF  }
0xc8: {  	[dreg:$0x0] =	wrdreg $0xFFFFFFFF;
	(pc) =	sbr.abs _section_cstart, $3  }
0xc9: {  	[dreg:$0x1] =	wrdreg $0xFFFFFFFF  }
0xca: {  	_ =	task.clear_ibuf [dreg:s11], $0x2FFFF;
	_ =	strace $0x9FFFFFFF  }
0xcb: {  	(tm) =	ssettm $0x7FFFFFFF  }
tec
execute0_lowered:
.L_overlay_start_1:
0x0: {  	(tag) =	ssettag $0x1  }
0x1: {  	s0 =	rddreg [dreg:$0x0]  }
0x2: {  	s1 =	rddreg [dreg:$0x1]  }
0x3: {  	s3 =	rddreg [dreg:$0x2]  }
0x4: {  	s5 =	rddreg [dreg:$0x3]  }
0x5: {  	s6 =	rddreg [dreg:$0x4];
	s16 =	stileid.u32  }
0x6: {  	s7 =	rddreg [dreg:$0x5];
	s11 =	smul.u32 $0x50000, s16  }
0x7: {  	s2 =	rddreg [dreg:$0x6];
	s4 =	simm.s32 $0x0;
	s14 =	smul.u32 $0x14000, s16  }
0x8: {  	s8 =	srdreg.scid;
	s31 =	simm.s32 $0xB;
	s20 =	smul.u32 $0x4E20, s16  }
0x9: {  	[smem:$0x7FF] =	sst s4;
	s8 =	sand.u32 $0x1, s8;
	s24 =	smul.u32 $0x4E200, s16  }
0xa: {  	s9 =	sshll.u32 s16, $0x1;
	s6 =	sadd.s32 $0x400, s6;
	s30 =	smul.u32 $0x140000, s8  }
0xb: {  	s18 =	sshll.u32 s16, $0x6;
	_ =	strace $0x80000047;
	s22 =	smul.u32 $0x2710, s8  }
0xc: {  	s10 =	ssub.s32 $0x2, s8;
	s9 =	sor.u32 s8, s9;
	s8 =	smul.u32 $0x27100, s8  }
0xd: {  	[dreg:$0x8] =	wrdreg s6;
	s6 =	sor.u32 $0x1C0D, s18;
	s12 =	smul.u32 $0x2710, s9  }
0xe: {  	s28 =	sshrl.u32 s10, $0x1;
	s29 =	sshrl.u32 s11, $0x2;
	s9 =	smul.u32 $0x27100, s9  }
0xf: {  	s26 =	sadd.s32 s24, s1;
	s24 =	simm.s32 $0x0;
	s10 =	ssub.s32 s10, s28  }
0x10: {  	s13 =	sadd.s32 s29, s2;
	s11 =	sadd.s32 s14, s30;
	s8 =	sadd.s32 s8, s26  }
0x11: {  	s26 =	simm.s32 $0x28;
	s15 =	sshrl.u32 s12, $0x3;
	s9 =	sadd.s32 s1, s9  }
0x12: {  	s19 =	sshrl.u32 s11, $0x3;
	s10 =	smax.u32 s10, $0x1;
	[dreg:$0xb] =	wrdreg s9  }
0x13: {  	s21 =	sadd.s32 $0x28, s12;
	s28 =	sadd.s32 $0x500, s8;
	[dreg:$0xd] =	wrdreg s10  }
0x14: {  	s17 =	sadd.s32 s3, s15;
	s15 =	sadd.s32 s5, s15;
	[dreg:$0x11] =	wrdreg s28  }
0x15: {  	s7 =	sadd.s32 s7, s19;
	s23 =	sshrl.u32 s21, $0x3;
	[dreg:$0x9] =	wrdreg s17  }
0x16: {  	s9 =	sadd.s32 s22, s20;
	s19 =	simm.s32 $0xD;
	[dreg:$0xa] =	wrdreg s15  }
0x17: {  	s22 =	simm.s32 $0xA;
	[dreg:$0xc] =	wrdreg s7;
	s25 =	sadd.s32 s3, s23  }
0x18: {  	s10 =	sadd.s32 s5, s23;
	s7 =	sshll.u32 s21, $0x4;
	[dreg:$0xe] =	wrdreg s25  }
0x19: {  	s9 =	sadd.s32 $0x50, s9;
	[dreg:$0xf] =	wrdreg s10;
	s1 =	sadd.s32 s1, s7  }
0x1a: {  	s9 =	sshrl.u32 s9, $0x3;
	s7 =	sshrl.u32 s13, $0x3;
	[dreg:$0x10] =	wrdreg s1  }
0x1b: {  	s25 =	simm.s32 $0x1;
	s29 =	sadd.s32 s9, s5;
	[dreg:$0x14] =	wrdreg s7  }
0x1c: {  	s30 =	sadd.s32 s9, s3;
	s9 =	simm.s32 $0x280;
	[dreg:$0x12] =	wrdreg s29  }
0x1d: {  	s1 =	simm.s32 $0xC;
	s3 =	simm.s32 $0x9;
	[dreg:$0x13] =	wrdreg s30  }
.LBB2_1:
0x1e: {  	s5 =	rddreg [dreg:$0x8]  }
0x1f: {  	[spmem:s7], [sflag:s6] =	dma.local [hbm:s5], $0x2800  }
0x20: {  	_ =	swait.ge [sflag:s19], $0x2800  }
0x21: {  	[sflag:s19] =	ssyncset.done $0x0  }
0x22: {  	[sflag:s19] =	ssyncadd.s32 $0xFFFFD800  }
0x23: {  	[bflag:$0x0] =	sbarrier.arrive $0xFFFF  }
0x24: {  	s10 =	rddreg [dreg:$0x9]  }
0x25: {  	[tilespmem:s4], [sflag:$0x1] =	stream.linear.gather [hbm4b:s10+s4], $0x28, $0x38;
	[tilespmem:$0x1E400] =	vst v63  }
0x26: {  	s12 =	simm.s32 $0x200;
	s11 =	rddreg [dreg:$0xa]  }
0x27: {  	[tilespmem:s12], [sflag:$0x1] =	stream.linear.gather [hbm4b:s11+s4], $0x28, $0x38;
	[tilespmem:$0x1E400] =	vst v63  }
0x28: {  	s14 =	simm.s32 $0x5400;
	s13 =	rddreg [dreg:$0xb]  }
0x29: {  	[tilespmem:s14], [sflag:$0x1] =	stream.linear.gather [hbm4b:s13+s4], $0x1400, $0x38;
	[tilespmem:$0x1E400] =	vst v63  }
0x2a: {  	s8 =	simm.s32 $0x80;
	s15 =	rddreg [dreg:$0xe]  }
0x2b: {  	[tilespmem:s8], [sflag:$0x2] =	stream.linear.gather [hbm4b:s15+s4], $0x28, $0x38;
	[tilespmem:$0x1E400] =	vst v63  }
0x2c: {  	s16 =	rddreg [dreg:$0xf]  }
0x2d: {  	[tilespmem:s9], [sflag:$0x2] =	stream.linear.gather [hbm4b:s16+s4], $0x28, $0x38;
	[tilespmem:$0x1E400] =	vst v63  }
0x2e: {  	s20 =	simm.s32 $0x6800;
	s17 =	rddreg [dreg:$0x10]  }
0x2f: {  	[tilespmem:s20], [sflag:$0x2] =	stream.linear.gather [hbm4b:s17+s4], $0x1400, $0x38;
	[tilespmem:$0x1E400] =	vst v63  }
0x30: {  	_ =	swait.ge [sflag:s25], $0x28  }
0x31: {  	[sflag:s25] =	ssyncset.done $0x0  }
0x32: {  	[sflag:s25] =	ssyncadd.s32 $0xFFFFFFD8  }
0x33: {  	_ =	swait.ge [sflag:s25], $0x28  }
0x34: {  	s18 =	smov.u32 s6;
	s21 =	simm.s32 $0x400;
	[sflag:s25] =	ssyncset.done $0x0  }
0x35: {  	p0 =	por $0x0, $0x0;
	s28 =	simm.s32 $0x5;
	[sflag:s25] =	ssyncadd.s32 $0xFFFFFFD8  }
0x36: {  	s23 =	simm.s32 $0x1;
	p2 =	por @!p0 $0x1, $0x1;
	_ =	swait.ge [sflag:s25], $0x1400  }
0x37: {  	s5 =	simm.s32 $0x2;
	p1 =	por p2, p0;
	[sflag:s25] =	ssyncset.done $0x0  }
0x38: {  	s29 =	simm.s32 $0x2;
	s7 =	sand.u32 @!p1 $0x3, s5;
	[sflag:s25] =	ssyncadd.s32 $0xFFFFEC00  }
0x39: {  	[spmem:s2] =	stream.indirect.scatter.add.f32 [tilespmem:s14], [sflag:$0x9], $0x80, s12, s26, $0xb8;
	[tilespmem:$0x1E400] =	vst v63  }
0x3a: {  	p2 =	por !p2, p0;
	s11 =	sand.u32 $0x3, s23;
	s9 =	sadd.s32 @!p1 $0x9, s7  }
0x3b: {  	[tilespmem:s21], [sflag:$0x5] =	stream.indirect.gather [hbm4b:s0+s26], $0x80, s4, s26, $0xb8;
	[tilespmem:$0x1E400] =	vst v63  }
0x3c: {  	s5 =	smov.u32 @p2 s7;
	s23 =	smul.u32 $0x1400, s11;
	_ =	swait.ge @!p1 [sflag:s9], $0x1400  }
0x3d: {  	s10 =	simm.s32 $0x4;
	s12 =	smul.u32 @!p0 $0x5000, s5;
	[sflag:s9] =	ssyncset.done @!p1 $0x0  }
0x3e: {  	s13 =	sadd.s32 $0x1, s11;
	s8 =	simm.s32 $0x6;
	[sflag:s9] =	ssyncadd.s32 @!p1 $0xFFFFEC00  }
0x3f: {  	s7 =	sshll.u32 @!p0 s5, $0x7;
	s12 =	sshra.s32 @!p0 s12, $0x2;
	_ =	swait.ge @!p1 [sflag:s9], $0x1400  }
0x40: {  	s21 =	sadd.s32 @!p0 $0x1, s5;
	[sflag:s9] =	ssyncset.done @!p1 $0x0;
	s5 =	rddreg [dreg:$0x13]  }
0x41: {  	s6 =	rddreg [dreg:$0x11];
	[sflag:s9] =	ssyncadd.s32 @!p1 $0xFFFFEC00;
	s9 =	simm.s32 @!p0 $0x0  }
0x42: {  	[tilespmem:s7], [sflag:s21] =	stream.linear.gather @!p0 [hbm4b:s5+s9], $0x28, $0x38;
	[tilespmem:$0x1E400] =	vst v63  }
0x43: {  	s14 =	sadd.s32 @!p0 $0x200, s7;
	s20 =	sadd.s32 @!p0 $0x5400, s12;
	s7 =	rddreg [dreg:$0x12]  }
0x44: {  	[tilespmem:s14], [sflag:s21] =	stream.linear.gather @!p0 [hbm4b:s7+s9], $0x28, $0x38;
	[tilespmem:$0x1E400] =	vst v63  }
0x45: {  	s12 =	sshll.u32 s11, $0x7;
	s30 =	sadd.s32 $0x280, s6;
	s5 =	sadd.s32 $0x5, s5  }
0x46: {  	[tilespmem:s20], [sflag:s21] =	stream.linear.gather @!p0 [hbm4b:s6+s9], $0x1400, $0x38;
	[tilespmem:$0x1E400] =	vst v63  }
0x47: {  	s7 =	sadd.s32 $0x5, s7;
	s20 =	sadd.s32 $0x400, s23;
	_ =	swait.ge [sflag:s13], $0x28  }
0x48: {  	s21 =	sadd.s32 $0x5, s11;
	p0 =	por $0x0, $0x0;
	[sflag:s13] =	ssyncset.done $0x0  }
0x49: {  	s9 =	sand.u32 $0x3, s29;
	p2 =	por @!p0 $0x1, $0x1;
	[sflag:s13] =	ssyncadd.s32 $0xFFFFFFD8  }
0x4a: {  	p1 =	por p2, p0;
	p3 =	por !p2, p0;
	_ =	swait.ge [sflag:s13], $0x28  }
.LBB2_2:
0x4b: {  	s29 =	sor.u32 $0x200, s12;
	[sflag:s13] =	ssyncset.done $0x0  }
0x4c: {  	s6 =	smov.u32 s8;
	s8 =	sadd.s32 $0x1, s8;
	s14 =	smov.u32 s30  }
0x4d: {  	s15 =	sadd.s32 $0xFFFFFFFE, s28;
	s11 =	sadd.s32 $0x9, s11;
	[sflag:s13] =	ssyncadd.s32 $0xFFFFFFD8  }
0x4e: {  	s23 =	sadd.s32 $0x5400, s23;
	s16 =	sand.u32 @!p1 $0x3, s15;
	_ =	swait.ge [sflag:s13], $0x1400  }
0x4f: {  	s10 =	sand.u32 $0x3, s10;
	s17 =	sadd.s32 @!p1 $0x9, s16;
	[sflag:s13] =	ssyncset.done $0x0  }
0x50: {  	p2 =	sne.s32 s8, $0xFD;
	s15 =	smov.u32 @p3 s16;
	[sflag:s13] =	ssyncadd.s32 $0xFFFFEC00  }
0x51: {  	[spmem:s2] =	stream.indirect.scatter.add.f32 [tilespmem:s23], [sflag:s11], $0x80, s29, s26, $0xb8;
	[tilespmem:$0x1E400] =	vst v63  }
0x52: {  	s16 =	sshll.u32 @!p0 s15, $0x7;
	s13 =	sshll.u32 s10, $0x7;
	s11 =	smul.u32 @!p0 $0x5000, s15  }
0x53: {  	s23 =	smul.u32 $0x5000, s10;
	s29 =	sadd.s32 $0x5, s10;
	s10 =	sadd.s32 $0x9, s10  }
0x54: {  	[tilespmem:s20], [sflag:s21] =	stream.indirect.gather [hbm4b:s0+s26], $0x80, s12, s26, $0xb8;
	[tilespmem:$0x1E400] =	vst v63  }
0x55: {  	s11 =	sshra.s32 @!p0 s11, $0x2;
	s12 =	sadd.s32 @!p0 $0x200, s16;
	_ =	swait.ge [sflag:s29], $0x1400  }
0x56: {  	s20 =	sadd.s32 @!p0 $0x5400, s11;
	s11 =	sshrl.u32 s23, $0x2;
	[sflag:s29] =	ssyncset.done $0x0  }
0x57: {  	s13 =	sor.u32 $0x200, s13;
	s11 =	sadd.s32 $0x400, s11;
	[sflag:s29] =	ssyncadd.s32 $0xFFFFEC00  }
0x58: {  	[spmem:s2] =	stream.indirect.scatter.add.f32 [tilespmem:s11], [sflag:s10], $0x80, s13, s26, $0xb8;
	[tilespmem:$0x1E400] =	vst v63  }
0x59: {  	s10 =	smov.u32 s28;
	s28 =	smov.u32 s6;
	_ =	swait.ge @!p1 [sflag:s17], $0x1400  }
0x5a: {  	s11 =	smov.u32 s9;
	[sflag:s17] =	ssyncset.done @!p1 $0x0  }
0x5b: {  	[sflag:s17] =	ssyncadd.s32 @!p1 $0xFFFFEC00  }
0x5c: {  	s6 =	sadd.s32 @!p0 $0x1, s15;
	s13 =	sadd.s32 $0x1, s11;
	_ =	swait.ge @!p1 [sflag:s17], $0x1400  }
0x5d: {  	[sflag:s17] =	ssyncset.done @!p1 $0x0  }
0x5e: {  	s9 =	simm.s32 @!p0 $0x0;
	[sflag:s17] =	ssyncadd.s32 @!p1 $0xFFFFEC00  }
0x5f: {  	[tilespmem:s16], [sflag:s6] =	stream.linear.gather @!p0 [hbm4b:s5+s9], $0x28, $0x38;
	[tilespmem:$0x1E400] =	vst v63  }
0x60: {  	s30 =	sadd.s32 $0x280, s30;
	s5 =	sadd.s32 $0x5, s5  }
0x61: {  	[tilespmem:s12], [sflag:s6] =	stream.linear.gather @!p0 [hbm4b:s7+s9], $0x28, $0x38;
	[tilespmem:$0x1E400] =	vst v63  }
0x62: {  	s23 =	smul.u32 $0x1400, s11;
	s12 =	sshll.u32 s11, $0x7;
	s7 =	sadd.s32 $0x5, s7  }
0x63: {  	[tilespmem:s20], [sflag:s6] =	stream.linear.gather @!p0 [hbm4b:s14+s9], $0x1400, $0x38;
	[tilespmem:$0x1E400] =	vst v63  }
.Ltmp0:
0x64: {  	_ = 	snop;
	(pc) =	sbr.rel @p2 .LBB2_2-.Ltmp0, $4  }
0x65: {  	s21 =	sadd.s32 $0x5, s11;
	s20 =	sadd.s32 $0x400, s23;
	_ =	swait.ge [sflag:s13], $0x28  }
0x66: {  	s6 =	sadd.s32 $0xFFFFFFFD, s28;
	p0 =	seq.s32 s28, $0xFC;
	[sflag:s13] =	ssyncset.done $0x0  }
0x67: {  	p3 =	slt.u32 @!p0 s6, $0x3;
	s9 =	sand.u32 $0x3, s6;
	[sflag:s13] =	ssyncadd.s32 $0xFFFFFFD8  }
0x68: {  	p1 =	por p3, p0;
	p3 =	por !p3, p0;
	_ =	swait.ge [sflag:s13], $0x28  }
0x69: {  	[sflag:s13] =	ssyncset.done $0x0  }
0x6a: {  	[sflag:s13] =	ssyncadd.s32 $0xFFFFFFD8  }
0x6b: {  	_ =	swait.ge [sflag:s13], $0x1400  }
0x6c: {  	s6 =	sor.u32 $0x200, s12;
	s8 =	sadd.s32 $0x9, s11;
	[sflag:s13] =	ssyncset.done $0x0  }
0x6d: {  	s16 =	sadd.s32 $0x5400, s23;
	s17 =	sand.u32 $0x3, s10;
	[sflag:s13] =	ssyncadd.s32 $0xFFFFEC00  }
0x6e: {  	[spmem:s2] =	stream.indirect.scatter.add.f32 [tilespmem:s16], [sflag:s8], $0x80, s6, s26, $0xb8;
	[tilespmem:$0x1E400] =	vst v63  }
0x6f: {  	s10 =	smul.u32 $0x5000, s17  }
0x70: {  	[tilespmem:s20], [sflag:s21] =	stream.indirect.gather [hbm4b:s0+s26], $0x80, s12, s26, $0xb8;
	[tilespmem:$0x1E400] =	vst v63  }
0x71: {  	s20 =	sadd.s32 $0x5, s17  }
0x72: {  	s11 =	sadd.s32 $0xFFFFFFFE, s28;
	s10 =	sshrl.u32 s10, $0x2;
	_ =	swait.ge [sflag:s20], $0x1400  }
0x73: {  	s10 =	sadd.s32 $0x400, s10;
	s21 =	sshll.u32 s17, $0x7;
	[sflag:s20] =	ssyncset.done $0x0  }
0x74: {  	s6 =	sadd.s32 $0x9, s17;
	s8 =	sor.u32 $0x200, s21;
	[sflag:s20] =	ssyncadd.s32 $0xFFFFEC00  }
0x75: {  	[spmem:s2] =	stream.indirect.scatter.add.f32 [tilespmem:s10], [sflag:s6], $0x80, s8, s26, $0xb8;
	[tilespmem:$0x1E400] =	vst v63  }
0x76: {  	s6 =	sand.u32 @!p1 $0x3, s11  }
0x77: {  	s8 =	sadd.s32 @!p1 $0x9, s6  }
0x78: {  	_ =	swait.ge @!p1 [sflag:s8], $0x1400  }
0x79: {  	[sflag:s8] =	ssyncset.done @!p1 $0x0  }
0x7a: {  	[sflag:s8] =	ssyncadd.s32 @!p1 $0xFFFFEC00  }
0x7b: {  	s11 =	smov.u32 @p3 s6;
	_ =	swait.ge @!p1 [sflag:s8], $0x1400  }
0x7c: {  	s6 =	sshll.u32 @!p0 s11, $0x7;
	[sflag:s8] =	ssyncset.done @!p1 $0x0  }
0x7d: {  	s10 =	sadd.s32 @!p0 $0x1, s11;
	[sflag:s8] =	ssyncadd.s32 @!p1 $0xFFFFEC00;
	s8 =	simm.s32 @!p0 $0x0  }
0x7e: {  	[tilespmem:s6], [sflag:s10] =	stream.linear.gather @!p0 [hbm4b:s5+s8], $0x28, $0x38;
	[tilespmem:$0x1E400] =	vst v63  }
0x7f: {  	s5 =	smul.u32 @!p0 $0x5000, s11;
	s6 =	sadd.s32 @!p0 $0x200, s6  }
0x80: {  	[tilespmem:s6], [sflag:s10] =	stream.linear.gather @!p0 [hbm4b:s7+s8], $0x28, $0x38;
	[tilespmem:$0x1E400] =	vst v63  }
0x81: {  	s5 =	sshra.s32 @!p0 s5, $0x2  }
0x82: {  	s23 =	sadd.s32 $0x1, s9;
	s5 =	sadd.s32 @!p0 $0x5400, s5  }
0x83: {  	[tilespmem:s5], [sflag:s10] =	stream.linear.gather @!p0 [hbm4b:s30+s8], $0x1400, $0x38;
	[tilespmem:$0x1E400] =	vst v63  }
0x84: {  	_ =	swait.ge [sflag:s23], $0x28  }
0x85: {  	[sflag:s23] =	ssyncset.done $0x0  }
0x86: {  	[sflag:s23] =	ssyncadd.s32 $0xFFFFFFD8  }
0x87: {  	_ =	swait.ge [sflag:s23], $0x28  }
0x88: {  	[sflag:s23] =	ssyncset.done $0x0  }
0x89: {  	s29 =	sshll.u32 s9, $0x7;
	[sflag:s23] =	ssyncadd.s32 $0xFFFFFFD8  }
0x8a: {  	s15 =	sadd.s32 $0x5, s9;
	s30 =	smul.u32 $0x1400, s9;
	_ =	swait.ge [sflag:s23], $0x1400  }
0x8b: {  	s16 =	sand.u32 $0x3, s28;
	s12 =	sadd.s32 $0x9, s9;
	[sflag:s23] =	ssyncset.done $0x0  }
0x8c: {  	s11 =	sor.u32 $0x200, s29;
	s13 =	sadd.s32 $0x5400, s30;
	[sflag:s23] =	ssyncadd.s32 $0xFFFFEC00  }
0x8d: {  	[spmem:s2] =	stream.indirect.scatter.add.f32 [tilespmem:s13], [sflag:s12], $0x80, s11, s26, $0xb8;
	[tilespmem:$0x1E400] =	vst v63  }
0x8e: {  	s17 =	sadd.s32 $0x5, s16;
	s20 =	smul.u32 $0x5000, s16;
	s14 =	sadd.s32 $0x400, s30  }
0x8f: {  	[tilespmem:s14], [sflag:s15] =	stream.indirect.gather [hbm4b:s0+s26], $0x80, s29, s26, $0xb8;
	[tilespmem:$0x1E400] =	vst v63  }
0x90: {  	s21 =	sshll.u32 s16, $0x7;
	s7 =	sshrl.u32 s20, $0x2;
	_ =	swait.ge [sflag:s17], $0x1400  }
0x91: {  	s6 =	sor.u32 $0x200, s21;
	s7 =	sadd.s32 $0x400, s7;
	[sflag:s17] =	ssyncset.done $0x0  }
0x92: {  	s5 =	sadd.s32 $0x9, s16;
	s23 =	simm.s32 $0x6;
	[sflag:s17] =	ssyncadd.s32 $0xFFFFEC00  }
0x93: {  	[spmem:s2] =	stream.indirect.scatter.add.f32 [tilespmem:s7], [sflag:s5], $0x80, s6, s26, $0xb8;
	[tilespmem:$0x1E400] =	vst v63  }
0x94: {  	_ =	swait.ge [sflag:s23], $0x1400  }
0x95: {  	[sflag:s23] =	ssyncset.done $0x0  }
0x96: {  	s28 =	simm.s32 $0x1800;
	s9 =	simm.s32 $0x280;
	[sflag:s23] =	ssyncadd.s32 $0xFFFFEC00  }
0x97: {  	[spmem:s2] =	stream.indirect.scatter.add.f32 [tilespmem:s28], [sflag:$0xA], $0x80, s9, s26, $0xb8;
	[tilespmem:$0x1E400] =	vst v63  }
0x98: {  	_ =	swait.ge [sflag:s31], $0x1400  }
0x99: {  	[sflag:s31] =	ssyncset.done $0x0  }
0x9a: {  	[sflag:s31] =	ssyncadd.s32 $0xFFFFEC00  }
0x9b: {  	_ =	swait.ge [sflag:s31], $0x1400  }
0x9c: {  	[sflag:s31] =	ssyncset.done $0x0  }
0x9d: {  	[sflag:s31] =	ssyncadd.s32 $0xFFFFEC00  }
0x9e: {  	_ =	swait.ge [sflag:s1], $0x1400  }
0x9f: {  	[sflag:s1] =	ssyncset.done $0x0  }
0xa0: {  	[sflag:s1] =	ssyncadd.s32 $0xFFFFEC00  }
0xa1: {  	_ =	swait.ge [sflag:s1], $0x1400  }
0xa2: {  	[sflag:s1] =	ssyncset.done $0x0  }
0xa3: {  	[sflag:s1] =	ssyncadd.s32 $0xFFFFEC00  }
0xa4: {  	_ =	swait.ge [sflag:s3], $0x1400  }
0xa5: {  	[sflag:s3] =	ssyncset.done $0x0  }
0xa6: {  	[sflag:s3] =	ssyncadd.s32 $0xFFFFEC00  }
0xa7: {  	_ =	swait.ge [sflag:s3], $0x1400  }
0xa8: {  	[sflag:s3] =	ssyncset.done $0x0  }
0xa9: {  	[sflag:s3] =	ssyncadd.s32 $0xFFFFEC00  }
0xaa: {  	_ =	swait.ge [sflag:s22], $0x1400  }
0xab: {  	[sflag:s22] =	ssyncset.done $0x0  }
0xac: {  	[sflag:s22] =	ssyncadd.s32 $0xFFFFEC00  }
0xad: {  	_ =	swait.ge [sflag:s22], $0x1400  }
0xae: {  	[sflag:s22] =	ssyncset.done $0x0  }
0xaf: {  	[sflag:s22] =	ssyncadd.s32 $0xFFFFEC00  }
0xb0: {  	[bflag:$0x0] =	sbarrier.arrive $0xFFFF  }
0xb1: {  	s29 =	rddreg [dreg:$0xc]  }
0xb2: {  	s7 =	rddreg [dreg:$0x14]  }
0xb3: {  	[hbm:s29], [sflag:s18] =	dma.local [spmem:s7], $0x2800  }
0xb4: {  	_ =	swait.ge [sflag:s19], $0x2800  }
0xb5: {  	s24 =	sadd.s32 $0x1, s24;
	s30 =	rddreg [dreg:$0xd]  }
0xb6: {  	p0 =	sne.s32 s24, s30  }
.Ltmp1:
0xb7: {  	_ = 	snop;
	(pc) =	sbr.rel @p0 .LBB2_1-.Ltmp1, $3  }
0xb8: {  	_ =	sdelay $0x1  }
0xb9: {  	[sflag:s19] =	ssyncset.done $0x0  }
0xba: {  	s6 =	smov.u32 s18;
	[sflag:s19] =	ssyncadd.s32 $0xFFFFD800  }
0xbb: {  	_ =	sfence.sel $0x180000  }
0xbc: {  	[bflag:$0x0] =	sbarrier.arrive $0xFFFF  }
0xbd: {  	_ =	strace $0x90000047  }
0xbe: {  	s0 =	stileid.u32;
	[bflag:$0x2] =	sbarrier.arrive $0xFFFF  }
0xbf: {  	p0 =	sne.s32 s0, $0x0;
	s0 =	rddreg [dreg:$0x7]  }
0xc0: {  	s0 =	sadd.s32 @!p0 $0x100000, s0  }
0xc1: {  	[sflag:s0] =	ssyncadd.tile.s32 @!p0 $0x1;
	_ =	shalt  }
.Lfunc_end2:
_tile_overlayer_lowered:
.L_overlay_start_2:
0xc2: {  	(tag) =	ssettag $0x2  }
0xc3: {  	s0 =	rddreg [dreg:$0x0];
	s2 =	stileid.u32  }
0xc4: {  	s1 =	rddreg [dreg:$0x1];
	p0 =	sne.s32 s2, $0x0  }
0xc5: {  	s3 =	rddreg [dreg:$0x2];
	[bflag:$0x3] =	sbarrier.arrive $0xFFFF;
	s2 =	simm.s32 @!p0 $0x1C0D  }
0xc6: {  	[timem:s3], [sflag:s2] =	dma.local @!p0 [hbm:s0], s1  }
0xc7: {  	s0 =	simm.s32 @!p0 $0xD  }
0xc8: {  	_ =	swait.ge @!p0 [sflag:s0], s1  }
0xc9: {  	s1 =	ssub.s32 @!p0 $0x0, s1;
	[sflag:s0] =	ssyncset.done @!p0 $0x0  }
0xca: {  	[sflag:s0] =	ssyncadd.s32 @!p0 s1  }
0xcb: {  	[bflag:$0x3] =	sbarrier.arrive $0xFFFF  }
0xcc: {  	_ =	shalt  }

</sc_bundles>
